<compile_context>
chip_gen: v7x
topology: tpu7x:2x2x1
jax: 0.10.2.dev20260603
libtpu: 0.0.44.dev20260713+nightly
codegen_flags: <defaults>
</compile_context>

<pallas_src>
import functools

import jax
import jax.numpy as jnp
from jax import lax
from jax.experimental import pallas as pl
from jax.experimental.pallas import tpu as pltpu
from jax.experimental.pallas import tpu_sc as plsc

VOCAB = 8192
N_TOK = 20480
NC, NS, LANES = 2, 16, 16
NW = NC * NS
PER_W = N_TOK // NW
CHUNK = 8
ITERS = PER_W // CHUNK


@functools.cache
def _sc_mesh():
    return plsc.VectorSubcoreMesh(core_axis_name="c", subcore_axis_name="s",
                                  num_cores=NC, num_subcores=NS)


HALF = VOCAB // 2


def _gather_body(w_hbm, tok_hbm, out_hbm, tok_v, buf_v,
                 gsem0, gsem1, ssem0, ssem1):
    wid = lax.axis_index("s") * NC + lax.axis_index("c")
    base = wid * PER_W
    pltpu.sync_copy(tok_hbm.at[wid], tok_v)

    def src(g, h):
        return w_hbm.at[tok_v.at[g], pl.ds(h * HALF, HALF)]

    def dst(g, h):
        return out_hbm.at[pl.ds(base + g * CHUNK, CHUNK),
                          pl.ds(h * HALF, HALF)]

    def gstart(g, h):
        pltpu.async_copy(src(g, h), buf_v.at[h], gsem0 if h == 0 else gsem1)

    def gwait(g, h):
        pltpu.make_async_copy(src(g, h), buf_v.at[h],
                              gsem0 if h == 0 else gsem1).wait()

    def sstart(g, h):
        pltpu.async_copy(buf_v.at[h], dst(g, h), ssem0 if h == 0 else ssem1)

    def swait(g, h):
        pltpu.make_async_copy(buf_v.at[h], dst(g, h),
                              ssem0 if h == 0 else ssem1).wait()

    gstart(0, 0)

    @pl.loop(0, ITERS)
    def _(g):
        gwait(g, 0)
        sstart(g, 0)

        @pl.when(g >= 1)
        def _():
            swait(g - 1, 1)

        gstart(g, 1)
        gwait(g, 1)
        sstart(g, 1)
        swait(g, 0)

        @pl.when(g < ITERS - 1)
        def _():
            gstart(g + 1, 0)

    swait(ITERS - 1, 1)


@functools.cache
def _gather_call():
    return pl.kernel(
        _gather_body,
        out_type=jax.ShapeDtypeStruct((N_TOK, VOCAB), jnp.float32),
        mesh=_sc_mesh(),
        scratch_types=[
            pltpu.VMEM((ITERS, CHUNK), jnp.int32),
            pltpu.VMEM((2, CHUNK, HALF), jnp.float32),
            pltpu.SemaphoreType.DMA,
            pltpu.SemaphoreType.DMA,
            pltpu.SemaphoreType.DMA,
            pltpu.SemaphoreType.DMA,
        ],
    )


LSE_ROWS = 128


def _lse_body(w_ref, out_ref):
    x = w_ref[...]
    m = jnp.max(x, axis=1, keepdims=True)
    s = jnp.sum(jnp.exp(x - m), axis=1)
    out_ref[...] = m[:, 0] + jnp.log(s)


_lse_call = pl.pallas_call(
    _lse_body,
    grid=(VOCAB // LSE_ROWS,),
    in_specs=[pl.BlockSpec((LSE_ROWS, VOCAB), lambda i: (i, 0))],
    out_specs=pl.BlockSpec((LSE_ROWS,), lambda i: (i,)),
    out_shape=jax.ShapeDtypeStruct((VOCAB,), jnp.float32),
)


IDX_CHUNK = 128


def _loss_gather_body(tok_hbm, tgt_hbm, lse_hbm, wflat_hbm,
                      lpart_hbm, tpart_hbm,
                      tok_v, fidx_v, lval_v, tval_v, part_v, sem):
    wid = lax.axis_index("s") * NC + lax.axis_index("c")
    pltpu.sync_copy(tok_hbm.at[wid], tok_v)

    nch = PER_W // IDX_CHUNK
    for k in range(nch):
        sl = pl.ds(k * IDX_CHUNK, IDX_CHUNK)
        pltpu.async_copy(lse_hbm.at[tok_v.at[sl]], lval_v.at[sl], sem)

    pltpu.sync_copy(tgt_hbm.at[wid], fidx_v)

    @pl.loop(0, PER_W // LANES)
    def _(j):
        sl = pl.ds(j * LANES, LANES)
        fidx_v[sl] = tok_v[sl] * VOCAB + fidx_v[sl]

    for k in range(nch):
        sl = pl.ds(k * IDX_CHUNK, IDX_CHUNK)
        pltpu.async_copy(wflat_hbm.at[fidx_v.at[sl]], tval_v.at[sl], sem)

    for k in range(nch):
        sl = pl.ds(k * IDX_CHUNK, IDX_CHUNK)
        pltpu.make_async_copy(lse_hbm.at[tok_v.at[sl]], lval_v.at[sl],
                              sem).wait()
        pltpu.make_async_copy(wflat_hbm.at[fidx_v.at[sl]], tval_v.at[sl],
                              sem).wait()

    @pl.loop(0, PER_W // LANES,
             init_carry=(jnp.zeros((LANES,), jnp.float32),
                         jnp.zeros((LANES,), jnp.float32)))
    def acc(j, carry):
        ls, ts = carry
        sl = pl.ds(j * LANES, LANES)
        return ls + lval_v[sl], ts + tval_v[sl]

    ls, ts = acc
    part_v[...] = ls
    pltpu.sync_copy(part_v, lpart_hbm.at[wid])
    part_v[...] = ts
    pltpu.sync_copy(part_v, tpart_hbm.at[wid])


@functools.cache
def _loss_gather_call():
    return pl.kernel(
        _loss_gather_body,
        out_type=[
            jax.ShapeDtypeStruct((NW, LANES), jnp.float32),
            jax.ShapeDtypeStruct((NW, LANES), jnp.float32),
        ],
        mesh=_sc_mesh(),
        scratch_types=[
            pltpu.VMEM((PER_W,), jnp.int32),
            pltpu.VMEM((PER_W,), jnp.int32),
            pltpu.VMEM((PER_W,), jnp.float32),
            pltpu.VMEM((PER_W,), jnp.float32),
            pltpu.VMEM((LANES,), jnp.float32),
            pltpu.SemaphoreType.DMA,
        ],
    )


def _loss_body(lpart_ref, tpart_ref, out_ref):
    loss = (jnp.sum(lpart_ref[...]) - jnp.sum(tpart_ref[...])) / N_TOK
    out_ref[...] = loss.reshape(1, 1)


_loss_call = pl.pallas_call(
    _loss_body,
    out_shape=jax.ShapeDtypeStruct((1, 1), jnp.float32),
)


def kernel(tokens, targets, W):
    tok_flat = tokens.reshape(-1)
    tgt_flat = targets.reshape(-1)
    flat_logits = _gather_call()(W, tok_flat.reshape(NW, ITERS, CHUNK))
    lse = _lse_call(W)
    wflat = W.reshape(-1)
    lpart, tpart = _loss_gather_call()(
        tok_flat.reshape(NW, PER_W), tgt_flat.reshape(NW, PER_W), lse, wflat)
    loss = _loss_call(lpart.reshape(4, 128), tpart.reshape(4, 128))[0, 0]
    return (flat_logits, loss)

# --- scband reference (transcript-rebuilt; emitter-appended) ---
"""Pipeline reference for scband-bigram-language-model-71536975282849 (READ-ONLY COPY).

The authoritative reference and input builder live on the scoring server;
editing this copy changes nothing except your own understanding.
"""

import jax, jax.numpy as jnp
import numpy as np

VOCAB = 8192
B, L = 1024, 20

def setup_inputs(seed: int = 0) -> dict:
    key = jax.random.key(seed)
    k1, k2, k3 = jax.random.split(key, 3)
    tokens = jax.random.randint(k1, (B, L), 0, VOCAB, dtype=jnp.int32)
    targets = jax.random.randint(k2, (B, L), 0, VOCAB, dtype=jnp.int32)
    # nn.Embedding(vocab_size, vocab_size) weight, N(0,1) init like torch default
    W = jax.random.normal(k3, (VOCAB, VOCAB), dtype=jnp.float32)
    return {"tokens": tokens, "targets": targets, "W": W}

def reference(tokens, targets, W):
    # logits = self.embed(tokens)  -> gather rows of W
    logits = jnp.take(W, tokens, axis=0)            # [B, L, V]
    V = logits.shape[-1]
    # targets path: reshape and cross-entropy (mean reduction, like F.cross_entropy)
    flat_logits = logits.reshape(-1, V)             # [B*L, V]
    flat_targets = targets.reshape(-1)              # [B*L]
    logp = jax.nn.log_softmax(flat_logits, axis=-1)
    nll = -jnp.take_along_axis(logp, flat_targets[:, None], axis=1)[:, 0]
    loss = jnp.mean(nll)
    # torch forward returns the reshaped logits when targets are provided
    return (flat_logits, loss)

if __name__ == "__main__":
    import jax
    _d = setup_inputs()
    print(jax.jit(kernel)(*tuple(_d.values())))

</pallas_src>

<mosaic_0001>
#map = affine_map<(d0, d1) -> (0, 0)>
#map1 = affine_map<(d0, d1) -> (0, 0, 0)>
module attributes {stable_mosaic.version = 14 : i64} {
  func.func @_gather_body(%arg0: i32, %arg1: i32, %arg2: memref<8192x8192xf32, #tpu.memory_space<hbm>>, %arg3: memref<32x80x8xi32, #tpu.memory_space<hbm>>, %arg4: memref<20480x8192xf32, #tpu.memory_space<hbm>>, %arg5: memref<80x8xi32, #tpu.memory_space<vmem>>, %arg6: memref<2x8x4096xf32, #tpu.memory_space<vmem>>, %arg7: memref<!tpu.dma_semaphore, #tpu.memory_space<semaphore_mem>>, %arg8: memref<!tpu.dma_semaphore, #tpu.memory_space<semaphore_mem>>, %arg9: memref<!tpu.dma_semaphore, #tpu.memory_space<semaphore_mem>>, %arg10: memref<!tpu.dma_semaphore, #tpu.memory_space<semaphore_mem>>) attributes {dimension_semantics = [#tpu.dimension_semantics<core_parallel>, #tpu.dimension_semantics<subcore_parallel>], iteration_bounds = array<i64: 2, 16>, scalar_prefetch = 0 : i64, scratch_operands = 6 : i64, tpu.core_type = #tpu.core_type<sc_vector_subcore>, window_params = [{transform_indices = #map}, {transform_indices = #map1}, {transform_indices = #map}]} {
    %mul3A = arith.constant 2 : i32
    %mul3A_0 = arith.muli %arg1, %mul3A : i32
    %add3A = arith.addi %mul3A_0, %arg0 : i32
    %mul3A_1 = arith.constant 640 : i32
    %mul3A_2 = arith.muli %add3A, %mul3A_1 : i32
    "tpu.region"() ({
      %run_scoped3A = tpu.sem_alloc : memref<!tpu.dma_semaphore, #tpu.memory_space<semaphore_mem>>
      %dma_start3A_32 = arith.constant 0 : i32
      %dma_start3A_33 = arith.constant 0 : i32
      %dma_start3A_34 = tpu.memref_slice %arg3[%add3A, %dma_start3A_32, %dma_start3A_33] : memref<32x80x8xi32, #tpu.memory_space<hbm>> -> memref<1x80x8xi32, #tpu.memory_space<hbm>>
      %dma_start3A_35 = tpu.memref_squeeze %dma_start3A_34 : memref<1x80x8xi32, #tpu.memory_space<hbm>> -> memref<80x8xi32, #tpu.memory_space<hbm>>
      %dma_start3A_36 = arith.constant 0 : i32
      %dma_start3A_37 = arith.constant 0 : i32
      %dma_start3A_38 = tpu.memref_slice %arg3[%add3A, %dma_start3A_36, %dma_start3A_37] : memref<32x80x8xi32, #tpu.memory_space<hbm>> -> memref<1x80x8xi32, #tpu.memory_space<hbm>>
      %dma_start3A_39 = tpu.memref_squeeze %dma_start3A_38 : memref<1x80x8xi32, #tpu.memory_space<hbm>> -> memref<80x8xi32, #tpu.memory_space<hbm>>
      tpu.enqueue_dma source(%dma_start3A_39 : memref<80x8xi32, #tpu.memory_space<hbm>>) target(%arg5 : memref<80x8xi32, #tpu.memory_space<vmem>>) target_semaphore(%run_scoped3A : memref<!tpu.dma_semaphore, #tpu.memory_space<semaphore_mem>>)
      %dma_wait3A_40 = arith.constant 0 : i32
      %dma_wait3A_41 = arith.constant 0 : i32
      %dma_wait3A_42 = tpu.memref_slice %arg3[%add3A, %dma_wait3A_40, %dma_wait3A_41] : memref<32x80x8xi32, #tpu.memory_space<hbm>> -> memref<1x80x8xi32, #tpu.memory_space<hbm>>
      %dma_wait3A_43 = tpu.memref_squeeze %dma_wait3A_42 : memref<1x80x8xi32, #tpu.memory_space<hbm>> -> memref<80x8xi32, #tpu.memory_space<hbm>>
      %dma_wait3A_44 = arith.constant 0 : i32
      %dma_wait3A_45 = arith.constant 0 : i32
      %dma_wait3A_46 = tpu.memref_slice %arg3[%add3A, %dma_wait3A_44, %dma_wait3A_45] : memref<32x80x8xi32, #tpu.memory_space<hbm>> -> memref<1x80x8xi32, #tpu.memory_space<hbm>>
      %dma_wait3A_47 = tpu.memref_squeeze %dma_wait3A_46 : memref<1x80x8xi32, #tpu.memory_space<hbm>> -> memref<80x8xi32, #tpu.memory_space<hbm>>
      tpu.wait_dma2 semaphore(%run_scoped3A : memref<!tpu.dma_semaphore, #tpu.memory_space<semaphore_mem>>) src(%dma_wait3A_47 : memref<80x8xi32, #tpu.memory_space<hbm>>) dst(%arg5 : memref<80x8xi32, #tpu.memory_space<vmem>>)
      tpu.yield
    }) : () -> ()
    %dma_start3A = arith.constant 0 : i32
    %dma_start3A_3 = arith.constant 0 : i32
    %dma_start3A_4 = arith.constant 0 : i32
    %dma_start3A_5 = arith.constant 0 : i32
    %dma_start3A_6 = tpu.memref_slice %arg6[%dma_start3A_3, %dma_start3A_4, %dma_start3A_5] : memref<2x8x4096xf32, #tpu.memory_space<vmem>> -> memref<1x8x4096xf32, #tpu.memory_space<vmem>>
    %dma_start3A_7 = tpu.memref_squeeze %dma_start3A_6 : memref<1x8x4096xf32, #tpu.memory_space<vmem>> -> memref<8x4096xf32, #tpu.memory_space<vmem>>
    %dma_start3A_8 = arith.constant 0 : i32
    %dma_start3A_9 = tpu.memref_slice %arg5[%dma_start3A, %dma_start3A_8] : memref<80x8xi32, #tpu.memory_space<vmem>> -> memref<1x8xi32, #tpu.memory_space<vmem>>
    %dma_start3A_10 = tpu.memref_squeeze %dma_start3A_9 : memref<1x8xi32, #tpu.memory_space<vmem>> -> memref<8xi32, #tpu.memory_space<vmem>>
    %dma_start3A_11 = arith.constant 0 : i32
    %dma_start3A_12 = arith.constant 0 : i32
    %dma_start3A_13 = tpu.memref_slice %arg2[%dma_start3A_11, %dma_start3A_12] : memref<8192x8192xf32, #tpu.memory_space<hbm>> -> memref<8192x4096xf32, #tpu.memory_space<hbm>>
    tpu.enqueue_indirect_dma source(%dma_start3A_13 : memref<8192x4096xf32, #tpu.memory_space<hbm>>) target(%dma_start3A_7 : memref<8x4096xf32, #tpu.memory_space<vmem>>) offsets(%dma_start3A_10 : memref<8xi32, #tpu.memory_space<vmem>>) semaphore(%arg7 : memref<!tpu.dma_semaphore, #tpu.memory_space<semaphore_mem>>)
    %scan3A = arith.constant 0 : i32
    %scan3A_14 = arith.constant 80 : i32
    %scan3A_15 = arith.addi %scan3A, %scan3A_14 : i32
    %scan3A_16 = arith.constant 1 : i32
    scf.for %scan3A_32 = %scan3A to %scan3A_15 step %scan3A_16  : i32 {
      %mul3A_33 = arith.constant 1 : i32
      %mul3A_34 = arith.muli %scan3A_32, %mul3A_33 : i32
      %add3A_35 = arith.constant 0 : i32
      %add3A_36 = arith.addi %add3A_35, %mul3A_34 : i32
      %dma_wait3A_37 = arith.constant 0 : i32
      %dma_wait3A_38 = arith.constant 0 : i32
      %dma_wait3A_39 = arith.constant 0 : i32
      %dma_wait3A_40 = tpu.memref_slice %arg6[%dma_wait3A_37, %dma_wait3A_38, %dma_wait3A_39] : memref<2x8x4096xf32, #tpu.memory_space<vmem>> -> memref<1x8x4096xf32, #tpu.memory_space<vmem>>
      %dma_wait3A_41 = tpu.memref_squeeze %dma_wait3A_40 : memref<1x8x4096xf32, #tpu.memory_space<vmem>> -> memref<8x4096xf32, #tpu.memory_space<vmem>>
      %dma_wait3A_42 = arith.constant 0 : i32
      %dma_wait3A_43 = tpu.memref_slice %arg5[%add3A_36, %dma_wait3A_42] : memref<80x8xi32, #tpu.memory_space<vmem>> -> memref<1x8xi32, #tpu.memory_space<vmem>>
      %dma_wait3A_44 = tpu.memref_squeeze %dma_wait3A_43 : memref<1x8xi32, #tpu.memory_space<vmem>> -> memref<8xi32, #tpu.memory_space<vmem>>
      %dma_wait3A_45 = arith.constant 0 : i32
      %dma_wait3A_46 = arith.constant 0 : i32
      %dma_wait3A_47 = tpu.memref_slice %arg2[%dma_wait3A_45, %dma_wait3A_46] : memref<8192x8192xf32, #tpu.memory_space<hbm>> -> memref<8192x4096xf32, #tpu.memory_space<hbm>>
      tpu.wait_indirect_dma semaphore(%arg7 : memref<!tpu.dma_semaphore, #tpu.memory_space<semaphore_mem>>) src(%dma_wait3A_47 : memref<8192x4096xf32, #tpu.memory_space<hbm>>) dst(%dma_wait3A_41 : memref<8x4096xf32, #tpu.memory_space<vmem>>)
      %mul3A_48 = arith.constant 8 : i32
      %mul3A_49 = arith.muli %add3A_36, %mul3A_48 : i32
      %add3A_50 = arith.addi %mul3A_2, %mul3A_49 : i32
      %dma_start3A_51 = arith.constant 0 : i32
      %dma_start3A_52 = arith.constant 0 : i32
      %dma_start3A_53 = arith.constant 0 : i32
      %dma_start3A_54 = tpu.memref_slice %arg6[%dma_start3A_51, %dma_start3A_52, %dma_start3A_53] : memref<2x8x4096xf32, #tpu.memory_space<vmem>> -> memref<1x8x4096xf32, #tpu.memory_space<vmem>>
      %dma_start3A_55 = tpu.memref_squeeze %dma_start3A_54 : memref<1x8x4096xf32, #tpu.memory_space<vmem>> -> memref<8x4096xf32, #tpu.memory_space<vmem>>
      %dma_start3A_56 = arith.constant 0 : i32
      %dma_start3A_57 = tpu.memref_slice %arg4[%add3A_50, %dma_start3A_56] : memref<20480x8192xf32, #tpu.memory_space<hbm>> -> memref<8x4096xf32, #tpu.memory_space<hbm>>
      %dma_start3A_58 = arith.constant 0 : i32
      %dma_start3A_59 = tpu.memref_slice %arg4[%add3A_50, %dma_start3A_58] : memref<20480x8192xf32, #tpu.memory_space<hbm>> -> memref<8x4096xf32, #tpu.memory_space<hbm>>
      %dma_start3A_60 = arith.constant 0 : i32
      %dma_start3A_61 = arith.constant 0 : i32
      %dma_start3A_62 = tpu.memref_slice %arg6[%dma_start3A_51, %dma_start3A_60, %dma_start3A_61] : memref<2x8x4096xf32, #tpu.memory_space<vmem>> -> memref<1x8x4096xf32, #tpu.memory_space<vmem>>
      %dma_start3A_63 = tpu.memref_squeeze %dma_start3A_62 : memref<1x8x4096xf32, #tpu.memory_space<vmem>> -> memref<8x4096xf32, #tpu.memory_space<vmem>>
      tpu.enqueue_dma source(%dma_start3A_63 : memref<8x4096xf32, #tpu.memory_space<vmem>>) target(%dma_start3A_59 : memref<8x4096xf32, #tpu.memory_space<hbm>>) target_semaphore(%arg9 : memref<!tpu.dma_semaphore, #tpu.memory_space<semaphore_mem>>)
      %ge3A = arith.constant 1 : i32
      %ge3A_64 = arith.cmpi sge, %add3A_36, %ge3A : i32
      %convert_element_type3A = arith.extui %ge3A_64 : i1 to i32
      %cond3A = arith.constant 0 : i32
      %cond3A_65 = arith.cmpi ne, %convert_element_type3A, %cond3A : i32
      scf.if %cond3A_65 {
        %sub3A = arith.constant 1 : i32
        %sub3A_124 = arith.subi %add3A_36, %sub3A : i32
        %mul3A_125 = arith.constant 8 : i32
        %mul3A_126 = arith.muli %sub3A_124, %mul3A_125 : i32
        %add3A_127 = arith.addi %mul3A_2, %mul3A_126 : i32
        %dma_wait3A_128 = arith.constant 1 : i32
        %dma_wait3A_129 = arith.constant 0 : i32
        %dma_wait3A_130 = arith.constant 0 : i32
        %dma_wait3A_131 = tpu.memref_slice %arg6[%dma_wait3A_128, %dma_wait3A_129, %dma_wait3A_130] : memref<2x8x4096xf32, #tpu.memory_space<vmem>> -> memref<1x8x4096xf32, #tpu.memory_space<vmem>>
        %dma_wait3A_132 = tpu.memref_squeeze %dma_wait3A_131 : memref<1x8x4096xf32, #tpu.memory_space<vmem>> -> memref<8x4096xf32, #tpu.memory_space<vmem>>
        %dma_wait3A_133 = arith.constant 4096 : i32
        %dma_wait3A_134 = tpu.memref_slice %arg4[%add3A_127, %dma_wait3A_133] : memref<20480x8192xf32, #tpu.memory_space<hbm>> -> memref<8x4096xf32, #tpu.memory_space<hbm>>
        %dma_wait3A_135 = arith.constant 4096 : i32
        %dma_wait3A_136 = tpu.memref_slice %arg4[%add3A_127, %dma_wait3A_135] : memref<20480x8192xf32, #tpu.memory_space<hbm>> -> memref<8x4096xf32, #tpu.memory_space<hbm>>
        %dma_wait3A_137 = arith.constant 0 : i32
        %dma_wait3A_138 = arith.constant 0 : i32
        %dma_wait3A_139 = tpu.memref_slice %arg6[%dma_wait3A_128, %dma_wait3A_137, %dma_wait3A_138] : memref<2x8x4096xf32, #tpu.memory_space<vmem>> -> memref<1x8x4096xf32, #tpu.memory_space<vmem>>
        %dma_wait3A_140 = tpu.memref_squeeze %dma_wait3A_139 : memref<1x8x4096xf32, #tpu.memory_space<vmem>> -> memref<8x4096xf32, #tpu.memory_space<vmem>>
        tpu.wait_dma2 semaphore(%arg10 : memref<!tpu.dma_semaphore, #tpu.memory_space<semaphore_mem>>) src(%dma_wait3A_140 : memref<8x4096xf32, #tpu.memory_space<vmem>>) dst(%dma_wait3A_136 : memref<8x4096xf32, #tpu.memory_space<hbm>>)
      } else {
      }
      %dma_start3A_66 = arith.constant 1 : i32
      %dma_start3A_67 = arith.constant 0 : i32
      %dma_start3A_68 = arith.constant 0 : i32
      %dma_start3A_69 = tpu.memref_slice %arg6[%dma_start3A_66, %dma_start3A_67, %dma_start3A_68] : memref<2x8x4096xf32, #tpu.memory_space<vmem>> -> memref<1x8x4096xf32, #tpu.memory_space<vmem>>
      %dma_start3A_70 = tpu.memref_squeeze %dma_start3A_69 : memref<1x8x4096xf32, #tpu.memory_space<vmem>> -> memref<8x4096xf32, #tpu.memory_space<vmem>>
      %dma_start3A_71 = arith.constant 0 : i32
      %dma_start3A_72 = tpu.memref_slice %arg5[%add3A_36, %dma_start3A_71] : memref<80x8xi32, #tpu.memory_space<vmem>> -> memref<1x8xi32, #tpu.memory_space<vmem>>
      %dma_start3A_73 = tpu.memref_squeeze %dma_start3A_72 : memref<1x8xi32, #tpu.memory_space<vmem>> -> memref<8xi32, #tpu.memory_space<vmem>>
      %dma_start3A_74 = arith.constant 0 : i32
      %dma_start3A_75 = arith.constant 4096 : i32
      %dma_start3A_76 = tpu.memref_slice %arg2[%dma_start3A_74, %dma_start3A_75] : memref<8192x8192xf32, #tpu.memory_space<hbm>> -> memref<8192x4096xf32, #tpu.memory_space<hbm>>
      tpu.enqueue_indirect_dma source(%dma_start3A_76 : memref<8192x4096xf32, #tpu.memory_space<hbm>>) target(%dma_start3A_70 : memref<8x4096xf32, #tpu.memory_space<vmem>>) offsets(%dma_start3A_73 : memref<8xi32, #tpu.memory_space<vmem>>) semaphore(%arg8 : memref<!tpu.dma_semaphore, #tpu.memory_space<semaphore_mem>>)
      %dma_wait3A_77 = arith.constant 1 : i32
      %dma_wait3A_78 = arith.constant 0 : i32
      %dma_wait3A_79 = arith.constant 0 : i32
      %dma_wait3A_80 = tpu.memref_slice %arg6[%dma_wait3A_77, %dma_wait3A_78, %dma_wait3A_79] : memref<2x8x4096xf32, #tpu.memory_space<vmem>> -> memref<1x8x4096xf32, #tpu.memory_space<vmem>>
      %dma_wait3A_81 = tpu.memref_squeeze %dma_wait3A_80 : memref<1x8x4096xf32, #tpu.memory_space<vmem>> -> memref<8x4096xf32, #tpu.memory_space<vmem>>
      %dma_wait3A_82 = arith.constant 0 : i32
      %dma_wait3A_83 = tpu.memref_slice %arg5[%add3A_36, %dma_wait3A_82] : memref<80x8xi32, #tpu.memory_space<vmem>> -> memref<1x8xi32, #tpu.memory_space<vmem>>
      %dma_wait3A_84 = tpu.memref_squeeze %dma_wait3A_83 : memref<1x8xi32, #tpu.memory_space<vmem>> -> memref<8xi32, #tpu.memory_space<vmem>>
      %dma_wait3A_85 = arith.constant 0 : i32
      %dma_wait3A_86 = arith.constant 4096 : i32
      %dma_wait3A_87 = tpu.memref_slice %arg2[%dma_wait3A_85, %dma_wait3A_86] : memref<8192x8192xf32, #tpu.memory_space<hbm>> -> memref<8192x4096xf32, #tpu.memory_space<hbm>>
      tpu.wait_indirect_dma semaphore(%arg8 : memref<!tpu.dma_semaphore, #tpu.memory_space<semaphore_mem>>) src(%dma_wait3A_87 : memref<8192x4096xf32, #tpu.memory_space<hbm>>) dst(%dma_wait3A_81 : memref<8x4096xf32, #tpu.memory_space<vmem>>)
      %mul3A_88 = arith.constant 8 : i32
      %mul3A_89 = arith.muli %add3A_36, %mul3A_88 : i32
      %add3A_90 = arith.addi %mul3A_2, %mul3A_89 : i32
      %dma_start3A_91 = arith.constant 1 : i32
      %dma_start3A_92 = arith.constant 0 : i32
      %dma_start3A_93 = arith.constant 0 : i32
      %dma_start3A_94 = tpu.memref_slice %arg6[%dma_start3A_91, %dma_start3A_92, %dma_start3A_93] : memref<2x8x4096xf32, #tpu.memory_space<vmem>> -> memref<1x8x4096xf32, #tpu.memory_space<vmem>>
      %dma_start3A_95 = tpu.memref_squeeze %dma_start3A_94 : memref<1x8x4096xf32, #tpu.memory_space<vmem>> -> memref<8x4096xf32, #tpu.memory_space<vmem>>
      %dma_start3A_96 = arith.constant 4096 : i32
      %dma_start3A_97 = tpu.memref_slice %arg4[%add3A_90, %dma_start3A_96] : memref<20480x8192xf32, #tpu.memory_space<hbm>> -> memref<8x4096xf32, #tpu.memory_space<hbm>>
      %dma_start3A_98 = arith.constant 4096 : i32
      %dma_start3A_99 = tpu.memref_slice %arg4[%add3A_90, %dma_start3A_98] : memref<20480x8192xf32, #tpu.memory_space<hbm>> -> memref<8x4096xf32, #tpu.memory_space<hbm>>
      %dma_start3A_100 = arith.constant 0 : i32
      %dma_start3A_101 = arith.constant 0 : i32
      %dma_start3A_102 = tpu.memref_slice %arg6[%dma_start3A_91, %dma_start3A_100, %dma_start3A_101] : memref<2x8x4096xf32, #tpu.memory_space<vmem>> -> memref<1x8x4096xf32, #tpu.memory_space<vmem>>
      %dma_start3A_103 = tpu.memref_squeeze %dma_start3A_102 : memref<1x8x4096xf32, #tpu.memory_space<vmem>> -> memref<8x4096xf32, #tpu.memory_space<vmem>>
      tpu.enqueue_dma source(%dma_start3A_103 : memref<8x4096xf32, #tpu.memory_space<vmem>>) target(%dma_start3A_99 : memref<8x4096xf32, #tpu.memory_space<hbm>>) target_semaphore(%arg10 : memref<!tpu.dma_semaphore, #tpu.memory_space<semaphore_mem>>)
      %mul3A_104 = arith.constant 8 : i32
      %mul3A_105 = arith.muli %add3A_36, %mul3A_104 : i32
      %add3A_106 = arith.addi %mul3A_2, %mul3A_105 : i32
      %dma_wait3A_107 = arith.constant 0 : i32
      %dma_wait3A_108 = arith.constant 0 : i32
      %dma_wait3A_109 = arith.constant 0 : i32
      %dma_wait3A_110 = tpu.memref_slice %arg6[%dma_wait3A_107, %dma_wait3A_108, %dma_wait3A_109] : memref<2x8x4096xf32, #tpu.memory_space<vmem>> -> memref<1x8x4096xf32, #tpu.memory_space<vmem>>
      %dma_wait3A_111 = tpu.memref_squeeze %dma_wait3A_110 : memref<1x8x4096xf32, #tpu.memory_space<vmem>> -> memref<8x4096xf32, #tpu.memory_space<vmem>>
      %dma_wait3A_112 = arith.constant 0 : i32
      %dma_wait3A_113 = tpu.memref_slice %arg4[%add3A_106, %dma_wait3A_112] : memref<20480x8192xf32, #tpu.memory_space<hbm>> -> memref<8x4096xf32, #tpu.memory_space<hbm>>
      %dma_wait3A_114 = arith.constant 0 : i32
      %dma_wait3A_115 = tpu.memref_slice %arg4[%add3A_106, %dma_wait3A_114] : memref<20480x8192xf32, #tpu.memory_space<hbm>> -> memref<8x4096xf32, #tpu.memory_space<hbm>>
      %dma_wait3A_116 = arith.constant 0 : i32
      %dma_wait3A_117 = arith.constant 0 : i32
      %dma_wait3A_118 = tpu.memref_slice %arg6[%dma_wait3A_107, %dma_wait3A_116, %dma_wait3A_117] : memref<2x8x4096xf32, #tpu.memory_space<vmem>> -> memref<1x8x4096xf32, #tpu.memory_space<vmem>>
      %dma_wait3A_119 = tpu.memref_squeeze %dma_wait3A_118 : memref<1x8x4096xf32, #tpu.memory_space<vmem>> -> memref<8x4096xf32, #tpu.memory_space<vmem>>
      tpu.wait_dma2 semaphore(%arg9 : memref<!tpu.dma_semaphore, #tpu.memory_space<semaphore_mem>>) src(%dma_wait3A_119 : memref<8x4096xf32, #tpu.memory_space<vmem>>) dst(%dma_wait3A_115 : memref<8x4096xf32, #tpu.memory_space<hbm>>)
      %lt3A = arith.constant 79 : i32
      %lt3A_120 = arith.cmpi slt, %add3A_36, %lt3A : i32
      %convert_element_type3A_121 = arith.extui %lt3A_120 : i1 to i32
      %cond3A_122 = arith.constant 0 : i32
      %cond3A_123 = arith.cmpi ne, %convert_element_type3A_121, %cond3A_122 : i32
      scf.if %cond3A_123 {
        %add3A_124 = arith.constant 1 : i32
        %add3A_125 = arith.addi %add3A_36, %add3A_124 : i32
        %dma_start3A_126 = arith.constant 0 : i32
        %dma_start3A_127 = arith.constant 0 : i32
        %dma_start3A_128 = arith.constant 0 : i32
        %dma_start3A_129 = tpu.memref_slice %arg6[%dma_start3A_126, %dma_start3A_127, %dma_start3A_128] : memref<2x8x4096xf32, #tpu.memory_space<vmem>> -> memref<1x8x4096xf32, #tpu.memory_space<vmem>>
        %dma_start3A_130 = tpu.memref_squeeze %dma_start3A_129 : memref<1x8x4096xf32, #tpu.memory_space<vmem>> -> memref<8x4096xf32, #tpu.memory_space<vmem>>
        %dma_start3A_131 = arith.constant 0 : i32
        %dma_start3A_132 = tpu.memref_slice %arg5[%add3A_125, %dma_start3A_131] : memref<80x8xi32, #tpu.memory_space<vmem>> -> memref<1x8xi32, #tpu.memory_space<vmem>>
        %dma_start3A_133 = tpu.memref_squeeze %dma_start3A_132 : memref<1x8xi32, #tpu.memory_space<vmem>> -> memref<8xi32, #tpu.memory_space<vmem>>
        %dma_start3A_134 = arith.constant 0 : i32
        %dma_start3A_135 = arith.constant 0 : i32
        %dma_start3A_136 = tpu.memref_slice %arg2[%dma_start3A_134, %dma_start3A_135] : memref<8192x8192xf32, #tpu.memory_space<hbm>> -> memref<8192x4096xf32, #tpu.memory_space<hbm>>
        tpu.enqueue_indirect_dma source(%dma_start3A_136 : memref<8192x4096xf32, #tpu.memory_space<hbm>>) target(%dma_start3A_130 : memref<8x4096xf32, #tpu.memory_space<vmem>>) offsets(%dma_start3A_133 : memref<8xi32, #tpu.memory_space<vmem>>) semaphore(%arg7 : memref<!tpu.dma_semaphore, #tpu.memory_space<semaphore_mem>>)
      } else {
      }
    }
    %scan3A_17 = arith.constant 80 : i32
    %add3A_18 = arith.constant 632 : i32
    %add3A_19 = arith.addi %mul3A_2, %add3A_18 : i32
    %dma_wait3A = arith.constant 1 : i32
    %dma_wait3A_20 = arith.constant 0 : i32
    %dma_wait3A_21 = arith.constant 0 : i32
    %dma_wait3A_22 = tpu.memref_slice %arg6[%dma_wait3A, %dma_wait3A_20, %dma_wait3A_21] : memref<2x8x4096xf32, #tpu.memory_space<vmem>> -> memref<1x8x4096xf32, #tpu.memory_space<vmem>>
    %dma_wait3A_23 = tpu.memref_squeeze %dma_wait3A_22 : memref<1x8x4096xf32, #tpu.memory_space<vmem>> -> memref<8x4096xf32, #tpu.memory_space<vmem>>
    %dma_wait3A_24 = arith.constant 4096 : i32
    %dma_wait3A_25 = tpu.memref_slice %arg4[%add3A_19, %dma_wait3A_24] : memref<20480x8192xf32, #tpu.memory_space<hbm>> -> memref<8x4096xf32, #tpu.memory_space<hbm>>
    %dma_wait3A_26 = arith.constant 4096 : i32
    %dma_wait3A_27 = tpu.memref_slice %arg4[%add3A_19, %dma_wait3A_26] : memref<20480x8192xf32, #tpu.memory_space<hbm>> -> memref<8x4096xf32, #tpu.memory_space<hbm>>
    %dma_wait3A_28 = arith.constant 0 : i32
    %dma_wait3A_29 = arith.constant 0 : i32
    %dma_wait3A_30 = tpu.memref_slice %arg6[%dma_wait3A, %dma_wait3A_28, %dma_wait3A_29] : memref<2x8x4096xf32, #tpu.memory_space<vmem>> -> memref<1x8x4096xf32, #tpu.memory_space<vmem>>
    %dma_wait3A_31 = tpu.memref_squeeze %dma_wait3A_30 : memref<1x8x4096xf32, #tpu.memory_space<vmem>> -> memref<8x4096xf32, #tpu.memory_space<vmem>>
    tpu.wait_dma2 semaphore(%arg10 : memref<!tpu.dma_semaphore, #tpu.memory_space<semaphore_mem>>) src(%dma_wait3A_31 : memref<8x4096xf32, #tpu.memory_space<vmem>>) dst(%dma_wait3A_27 : memref<8x4096xf32, #tpu.memory_space<hbm>>)
    return
  }
}

#map = affine_map<(d0, d1) -> (0, 0)>
#map1 = affine_map<(d0, d1) -> (0)>
module attributes {stable_mosaic.version = 14 : i64} {
  func.func @_loss_gather_body(%arg0: i32, %arg1: i32, %arg2: memref<32x640xi32, #tpu.memory_space<hbm>>, %arg3: memref<32x640xi32, #tpu.memory_space<hbm>>, %arg4: memref<8192xf32, #tpu.memory_space<hbm>>, %arg5: memref<67108864xf32, #tpu.memory_space<hbm>>, %arg6: memref<32x16xf32, #tpu.memory_space<hbm>>, %arg7: memref<32x16xf32, #tpu.memory_space<hbm>>, %arg8: memref<640xi32, #tpu.memory_space<vmem>>, %arg9: memref<640xi32, #tpu.memory_space<vmem>>, %arg10: memref<640xf32, #tpu.memory_space<vmem>>, %arg11: memref<640xf32, #tpu.memory_space<vmem>>, %arg12: memref<16xf32, #tpu.memory_space<vmem>>, %arg13: memref<!tpu.dma_semaphore, #tpu.memory_space<semaphore_mem>>) attributes {dimension_semantics = [#tpu.dimension_semantics<core_parallel>, #tpu.dimension_semantics<subcore_parallel>], iteration_bounds = array<i64: 2, 16>, scalar_prefetch = 0 : i64, scratch_operands = 6 : i64, tpu.core_type = #tpu.core_type<sc_vector_subcore>, window_params = [{transform_indices = #map}, {transform_indices = #map}, {transform_indices = #map1}, {transform_indices = #map1}, {transform_indices = #map}, {transform_indices = #map}]} {
    %mul3A = arith.constant 2 : i32
    %mul3A_0 = arith.muli %arg1, %mul3A : i32
    %add3A = arith.addi %mul3A_0, %arg0 : i32
    "tpu.region"() ({
      %run_scoped3A = tpu.sem_alloc : memref<!tpu.dma_semaphore, #tpu.memory_space<semaphore_mem>>
      %dma_start3A_139 = arith.constant 0 : i32
      %dma_start3A_140 = tpu.memref_slice %arg2[%add3A, %dma_start3A_139] : memref<32x640xi32, #tpu.memory_space<hbm>> -> memref<1x640xi32, #tpu.memory_space<hbm>>
      %dma_start3A_141 = tpu.memref_squeeze %dma_start3A_140 : memref<1x640xi32, #tpu.memory_space<hbm>> -> memref<640xi32, #tpu.memory_space<hbm>>
      %dma_start3A_142 = arith.constant 0 : i32
      %dma_start3A_143 = tpu.memref_slice %arg2[%add3A, %dma_start3A_142] : memref<32x640xi32, #tpu.memory_space<hbm>> -> memref<1x640xi32, #tpu.memory_space<hbm>>
      %dma_start3A_144 = tpu.memref_squeeze %dma_start3A_143 : memref<1x640xi32, #tpu.memory_space<hbm>> -> memref<640xi32, #tpu.memory_space<hbm>>
      tpu.enqueue_dma source(%dma_start3A_144 : memref<640xi32, #tpu.memory_space<hbm>>) target(%arg8 : memref<640xi32, #tpu.memory_space<vmem>>) target_semaphore(%run_scoped3A : memref<!tpu.dma_semaphore, #tpu.memory_space<semaphore_mem>>)
      %dma_wait3A_145 = arith.constant 0 : i32
      %dma_wait3A_146 = tpu.memref_slice %arg2[%add3A, %dma_wait3A_145] : memref<32x640xi32, #tpu.memory_space<hbm>> -> memref<1x640xi32, #tpu.memory_space<hbm>>
      %dma_wait3A_147 = tpu.memref_squeeze %dma_wait3A_146 : memref<1x640xi32, #tpu.memory_space<hbm>> -> memref<640xi32, #tpu.memory_space<hbm>>
      %dma_wait3A_148 = arith.constant 0 : i32
      %dma_wait3A_149 = tpu.memref_slice %arg2[%add3A, %dma_wait3A_148] : memref<32x640xi32, #tpu.memory_space<hbm>> -> memref<1x640xi32, #tpu.memory_space<hbm>>
      %dma_wait3A_150 = tpu.memref_squeeze %dma_wait3A_149 : memref<1x640xi32, #tpu.memory_space<hbm>> -> memref<640xi32, #tpu.memory_space<hbm>>
      tpu.wait_dma2 semaphore(%run_scoped3A : memref<!tpu.dma_semaphore, #tpu.memory_space<semaphore_mem>>) src(%dma_wait3A_150 : memref<640xi32, #tpu.memory_space<hbm>>) dst(%arg8 : memref<640xi32, #tpu.memory_space<vmem>>)
      tpu.yield
    }) : () -> ()
    %dma_start3A = arith.constant 0 : i32
    %dma_start3A_1 = tpu.memref_slice %arg10[%dma_start3A] : memref<640xf32, #tpu.memory_space<vmem>> -> memref<128xf32, #tpu.memory_space<vmem>>
    %dma_start3A_2 = arith.constant 0 : i32
    %dma_start3A_3 = tpu.memref_slice %arg8[%dma_start3A_2] : memref<640xi32, #tpu.memory_space<vmem>> -> memref<128xi32, #tpu.memory_space<vmem>>
    %dma_start3A_4 = arith.constant 0 : i32
    %dma_start3A_5 = tpu.memref_slice %arg4[%dma_start3A_4] : memref<8192xf32, #tpu.memory_space<hbm>> -> memref<8192xf32, #tpu.memory_space<hbm>>
    tpu.enqueue_indirect_dma source(%dma_start3A_5 : memref<8192xf32, #tpu.memory_space<hbm>>) target(%dma_start3A_1 : memref<128xf32, #tpu.memory_space<vmem>>) offsets(%dma_start3A_3 : memref<128xi32, #tpu.memory_space<vmem>>) semaphore(%arg13 : memref<!tpu.dma_semaphore, #tpu.memory_space<semaphore_mem>>)
    %dma_start3A_6 = arith.constant 128 : i32
    %dma_start3A_7 = tpu.memref_slice %arg10[%dma_start3A_6] : memref<640xf32, #tpu.memory_space<vmem>> -> memref<128xf32, #tpu.memory_space<vmem>>
    %dma_start3A_8 = arith.constant 128 : i32
    %dma_start3A_9 = tpu.memref_slice %arg8[%dma_start3A_8] : memref<640xi32, #tpu.memory_space<vmem>> -> memref<128xi32, #tpu.memory_space<vmem>>
    %dma_start3A_10 = arith.constant 0 : i32
    %dma_start3A_11 = tpu.memref_slice %arg4[%dma_start3A_10] : memref<8192xf32, #tpu.memory_space<hbm>> -> memref<8192xf32, #tpu.memory_space<hbm>>
    tpu.enqueue_indirect_dma source(%dma_start3A_11 : memref<8192xf32, #tpu.memory_space<hbm>>) target(%dma_start3A_7 : memref<128xf32, #tpu.memory_space<vmem>>) offsets(%dma_start3A_9 : memref<128xi32, #tpu.memory_space<vmem>>) semaphore(%arg13 : memref<!tpu.dma_semaphore, #tpu.memory_space<semaphore_mem>>)
    %dma_start3A_12 = arith.constant 256 : i32
    %dma_start3A_13 = tpu.memref_slice %arg10[%dma_start3A_12] : memref<640xf32, #tpu.memory_space<vmem>> -> memref<128xf32, #tpu.memory_space<vmem>>
    %dma_start3A_14 = arith.constant 256 : i32
    %dma_start3A_15 = tpu.memref_slice %arg8[%dma_start3A_14] : memref<640xi32, #tpu.memory_space<vmem>> -> memref<128xi32, #tpu.memory_space<vmem>>
    %dma_start3A_16 = arith.constant 0 : i32
    %dma_start3A_17 = tpu.memref_slice %arg4[%dma_start3A_16] : memref<8192xf32, #tpu.memory_space<hbm>> -> memref<8192xf32, #tpu.memory_space<hbm>>
    tpu.enqueue_indirect_dma source(%dma_start3A_17 : memref<8192xf32, #tpu.memory_space<hbm>>) target(%dma_start3A_13 : memref<128xf32, #tpu.memory_space<vmem>>) offsets(%dma_start3A_15 : memref<128xi32, #tpu.memory_space<vmem>>) semaphore(%arg13 : memref<!tpu.dma_semaphore, #tpu.memory_space<semaphore_mem>>)
    %dma_start3A_18 = arith.constant 384 : i32
    %dma_start3A_19 = tpu.memref_slice %arg10[%dma_start3A_18] : memref<640xf32, #tpu.memory_space<vmem>> -> memref<128xf32, #tpu.memory_space<vmem>>
    %dma_start3A_20 = arith.constant 384 : i32
    %dma_start3A_21 = tpu.memref_slice %arg8[%dma_start3A_20] : memref<640xi32, #tpu.memory_space<vmem>> -> memref<128xi32, #tpu.memory_space<vmem>>
    %dma_start3A_22 = arith.constant 0 : i32
    %dma_start3A_23 = tpu.memref_slice %arg4[%dma_start3A_22] : memref<8192xf32, #tpu.memory_space<hbm>> -> memref<8192xf32, #tpu.memory_space<hbm>>
    tpu.enqueue_indirect_dma source(%dma_start3A_23 : memref<8192xf32, #tpu.memory_space<hbm>>) target(%dma_start3A_19 : memref<128xf32, #tpu.memory_space<vmem>>) offsets(%dma_start3A_21 : memref<128xi32, #tpu.memory_space<vmem>>) semaphore(%arg13 : memref<!tpu.dma_semaphore, #tpu.memory_space<semaphore_mem>>)
    %dma_start3A_24 = arith.constant 512 : i32
    %dma_start3A_25 = tpu.memref_slice %arg10[%dma_start3A_24] : memref<640xf32, #tpu.memory_space<vmem>> -> memref<128xf32, #tpu.memory_space<vmem>>
    %dma_start3A_26 = arith.constant 512 : i32
    %dma_start3A_27 = tpu.memref_slice %arg8[%dma_start3A_26] : memref<640xi32, #tpu.memory_space<vmem>> -> memref<128xi32, #tpu.memory_space<vmem>>
    %dma_start3A_28 = arith.constant 0 : i32
    %dma_start3A_29 = tpu.memref_slice %arg4[%dma_start3A_28] : memref<8192xf32, #tpu.memory_space<hbm>> -> memref<8192xf32, #tpu.memory_space<hbm>>
    tpu.enqueue_indirect_dma source(%dma_start3A_29 : memref<8192xf32, #tpu.memory_space<hbm>>) target(%dma_start3A_25 : memref<128xf32, #tpu.memory_space<vmem>>) offsets(%dma_start3A_27 : memref<128xi32, #tpu.memory_space<vmem>>) semaphore(%arg13 : memref<!tpu.dma_semaphore, #tpu.memory_space<semaphore_mem>>)
    "tpu.region"() ({
      %run_scoped3A = tpu.sem_alloc : memref<!tpu.dma_semaphore, #tpu.memory_space<semaphore_mem>>
      %dma_start3A_139 = arith.constant 0 : i32
      %dma_start3A_140 = tpu.memref_slice %arg3[%add3A, %dma_start3A_139] : memref<32x640xi32, #tpu.memory_space<hbm>> -> memref<1x640xi32, #tpu.memory_space<hbm>>
      %dma_start3A_141 = tpu.memref_squeeze %dma_start3A_140 : memref<1x640xi32, #tpu.memory_space<hbm>> -> memref<640xi32, #tpu.memory_space<hbm>>
      %dma_start3A_142 = arith.constant 0 : i32
      %dma_start3A_143 = tpu.memref_slice %arg3[%add3A, %dma_start3A_142] : memref<32x640xi32, #tpu.memory_space<hbm>> -> memref<1x640xi32, #tpu.memory_space<hbm>>
      %dma_start3A_144 = tpu.memref_squeeze %dma_start3A_143 : memref<1x640xi32, #tpu.memory_space<hbm>> -> memref<640xi32, #tpu.memory_space<hbm>>
      tpu.enqueue_dma source(%dma_start3A_144 : memref<640xi32, #tpu.memory_space<hbm>>) target(%arg9 : memref<640xi32, #tpu.memory_space<vmem>>) target_semaphore(%run_scoped3A : memref<!tpu.dma_semaphore, #tpu.memory_space<semaphore_mem>>)
      %dma_wait3A_145 = arith.constant 0 : i32
      %dma_wait3A_146 = tpu.memref_slice %arg3[%add3A, %dma_wait3A_145] : memref<32x640xi32, #tpu.memory_space<hbm>> -> memref<1x640xi32, #tpu.memory_space<hbm>>
      %dma_wait3A_147 = tpu.memref_squeeze %dma_wait3A_146 : memref<1x640xi32, #tpu.memory_space<hbm>> -> memref<640xi32, #tpu.memory_space<hbm>>
      %dma_wait3A_148 = arith.constant 0 : i32
      %dma_wait3A_149 = tpu.memref_slice %arg3[%add3A, %dma_wait3A_148] : memref<32x640xi32, #tpu.memory_space<hbm>> -> memref<1x640xi32, #tpu.memory_space<hbm>>
      %dma_wait3A_150 = tpu.memref_squeeze %dma_wait3A_149 : memref<1x640xi32, #tpu.memory_space<hbm>> -> memref<640xi32, #tpu.memory_space<hbm>>
      tpu.wait_dma2 semaphore(%run_scoped3A : memref<!tpu.dma_semaphore, #tpu.memory_space<semaphore_mem>>) src(%dma_wait3A_150 : memref<640xi32, #tpu.memory_space<hbm>>) dst(%arg9 : memref<640xi32, #tpu.memory_space<vmem>>)
      tpu.yield
    }) : () -> ()
    %scan3A = arith.constant 0 : i32
    %scan3A_30 = arith.constant 40 : i32
    %scan3A_31 = arith.addi %scan3A, %scan3A_30 : i32
    %scan3A_32 = arith.constant 1 : i32
    scf.for %scan3A_139 = %scan3A to %scan3A_31 step %scan3A_32  : i32 {
      %mul3A_140 = arith.constant 1 : i32
      %mul3A_141 = arith.muli %scan3A_139, %mul3A_140 : i32
      %add3A_142 = arith.constant 0 : i32
      %add3A_143 = arith.addi %add3A_142, %mul3A_141 : i32
      %mul3A_144 = arith.constant 16 : i32
      %mul3A_145 = arith.muli %add3A_143, %mul3A_144 : i32
      %get3A = arith.index_cast %mul3A_145 : i32 to index
      %get3A_146 = tpu.vector_load %arg8[%get3A] {strides = array<i32>} : memref<640xi32, #tpu.memory_space<vmem>>, vector<16xi32>,
      %get3A_147 = vector.shape_cast %get3A_146 : vector<16xi32> to vector<16xi32>
      %mul3A_148 = arith.constant 8192 : i32
      %mul3A_149 = vector.broadcast %mul3A_148 : i32 to vector<16xi32>
      %mul3A_150 = arith.muli %get3A_147, %mul3A_149 : vector<16xi32>
      %get3A_151 = arith.index_cast %mul3A_145 : i32 to index
      %get3A_152 = tpu.vector_load %arg9[%get3A_151] {strides = array<i32>} : memref<640xi32, #tpu.memory_space<vmem>>, vector<16xi32>,
      %get3A_153 = vector.shape_cast %get3A_152 : vector<16xi32> to vector<16xi32>
      %add3A_154 = arith.addi %mul3A_150, %get3A_153 : vector<16xi32>
      %swap3A_155 = arith.index_cast %mul3A_145 : i32 to index
      %swap3A_156 = tpu.vector_load %arg9[%swap3A_155] {strides = array<i32>} : memref<640xi32, #tpu.memory_space<vmem>>, vector<16xi32>,
      %swap3A_157 = vector.shape_cast %swap3A_156 : vector<16xi32> to vector<16xi32>
      %swap3A_158 = vector.shape_cast %add3A_154 : vector<16xi32> to vector<16xi32>
      tpu.vector_store %arg9[%swap3A_155], %swap3A_158 {strides = array<i32>} : memref<640xi32, #tpu.memory_space<vmem>>, vector<16xi32>,
    }
    %scan3A_33 = arith.constant 40 : i32
    %dma_start3A_34 = arith.constant 0 : i32
    %dma_start3A_35 = tpu.memref_slice %arg11[%dma_start3A_34] : memref<640xf32, #tpu.memory_space<vmem>> -> memref<128xf32, #tpu.memory_space<vmem>>
    %dma_start3A_36 = arith.constant 0 : i32
    %dma_start3A_37 = tpu.memref_slice %arg9[%dma_start3A_36] : memref<640xi32, #tpu.memory_space<vmem>> -> memref<128xi32, #tpu.memory_space<vmem>>
    %dma_start3A_38 = arith.constant 0 : i32
    %dma_start3A_39 = tpu.memref_slice %arg5[%dma_start3A_38] : memref<67108864xf32, #tpu.memory_space<hbm>> -> memref<67108864xf32, #tpu.memory_space<hbm>>
    tpu.enqueue_indirect_dma source(%dma_start3A_39 : memref<67108864xf32, #tpu.memory_space<hbm>>) target(%dma_start3A_35 : memref<128xf32, #tpu.memory_space<vmem>>) offsets(%dma_start3A_37 : memref<128xi32, #tpu.memory_space<vmem>>) semaphore(%arg13 : memref<!tpu.dma_semaphore, #tpu.memory_space<semaphore_mem>>)
    %dma_start3A_40 = arith.constant 128 : i32
    %dma_start3A_41 = tpu.memref_slice %arg11[%dma_start3A_40] : memref<640xf32, #tpu.memory_space<vmem>> -> memref<128xf32, #tpu.memory_space<vmem>>
    %dma_start3A_42 = arith.constant 128 : i32
    %dma_start3A_43 = tpu.memref_slice %arg9[%dma_start3A_42] : memref<640xi32, #tpu.memory_space<vmem>> -> memref<128xi32, #tpu.memory_space<vmem>>
    %dma_start3A_44 = arith.constant 0 : i32
    %dma_start3A_45 = tpu.memref_slice %arg5[%dma_start3A_44] : memref<67108864xf32, #tpu.memory_space<hbm>> -> memref<67108864xf32, #tpu.memory_space<hbm>>
    tpu.enqueue_indirect_dma source(%dma_start3A_45 : memref<67108864xf32, #tpu.memory_space<hbm>>) target(%dma_start3A_41 : memref<128xf32, #tpu.memory_space<vmem>>) offsets(%dma_start3A_43 : memref<128xi32, #tpu.memory_space<vmem>>) semaphore(%arg13 : memref<!tpu.dma_semaphore, #tpu.memory_space<semaphore_mem>>)
    %dma_start3A_46 = arith.constant 256 : i32
    %dma_start3A_47 = tpu.memref_slice %arg11[%dma_start3A_46] : memref<640xf32, #tpu.memory_space<vmem>> -> memref<128xf32, #tpu.memory_space<vmem>>
    %dma_start3A_48 = arith.constant 256 : i32
    %dma_start3A_49 = tpu.memref_slice %arg9[%dma_start3A_48] : memref<640xi32, #tpu.memory_space<vmem>> -> memref<128xi32, #tpu.memory_space<vmem>>
    %dma_start3A_50 = arith.constant 0 : i32
    %dma_start3A_51 = tpu.memref_slice %arg5[%dma_start3A_50] : memref<67108864xf32, #tpu.memory_space<hbm>> -> memref<67108864xf32, #tpu.memory_space<hbm>>
    tpu.enqueue_indirect_dma source(%dma_start3A_51 : memref<67108864xf32, #tpu.memory_space<hbm>>) target(%dma_start3A_47 : memref<128xf32, #tpu.memory_space<vmem>>) offsets(%dma_start3A_49 : memref<128xi32, #tpu.memory_space<vmem>>) semaphore(%arg13 : memref<!tpu.dma_semaphore, #tpu.memory_space<semaphore_mem>>)
    %dma_start3A_52 = arith.constant 384 : i32
    %dma_start3A_53 = tpu.memref_slice %arg11[%dma_start3A_52] : memref<640xf32, #tpu.memory_space<vmem>> -> memref<128xf32, #tpu.memory_space<vmem>>
    %dma_start3A_54 = arith.constant 384 : i32
    %dma_start3A_55 = tpu.memref_slice %arg9[%dma_start3A_54] : memref<640xi32, #tpu.memory_space<vmem>> -> memref<128xi32, #tpu.memory_space<vmem>>
    %dma_start3A_56 = arith.constant 0 : i32
    %dma_start3A_57 = tpu.memref_slice %arg5[%dma_start3A_56] : memref<67108864xf32, #tpu.memory_space<hbm>> -> memref<67108864xf32, #tpu.memory_space<hbm>>
    tpu.enqueue_indirect_dma source(%dma_start3A_57 : memref<67108864xf32, #tpu.memory_space<hbm>>) target(%dma_start3A_53 : memref<128xf32, #tpu.memory_space<vmem>>) offsets(%dma_start3A_55 : memref<128xi32, #tpu.memory_space<vmem>>) semaphore(%arg13 : memref<!tpu.dma_semaphore, #tpu.memory_space<semaphore_mem>>)
    %dma_start3A_58 = arith.constant 512 : i32
    %dma_start3A_59 = tpu.memref_slice %arg11[%dma_start3A_58] : memref<640xf32, #tpu.memory_space<vmem>> -> memref<128xf32, #tpu.memory_space<vmem>>
    %dma_start3A_60 = arith.constant 512 : i32
    %dma_start3A_61 = tpu.memref_slice %arg9[%dma_start3A_60] : memref<640xi32, #tpu.memory_space<vmem>> -> memref<128xi32, #tpu.memory_space<vmem>>
    %dma_start3A_62 = arith.constant 0 : i32
    %dma_start3A_63 = tpu.memref_slice %arg5[%dma_start3A_62] : memref<67108864xf32, #tpu.memory_space<hbm>> -> memref<67108864xf32, #tpu.memory_space<hbm>>
    tpu.enqueue_indirect_dma source(%dma_start3A_63 : memref<67108864xf32, #tpu.memory_space<hbm>>) target(%dma_start3A_59 : memref<128xf32, #tpu.memory_space<vmem>>) offsets(%dma_start3A_61 : memref<128xi32, #tpu.memory_space<vmem>>) semaphore(%arg13 : memref<!tpu.dma_semaphore, #tpu.memory_space<semaphore_mem>>)
    %dma_wait3A = arith.constant 0 : i32
    %dma_wait3A_64 = tpu.memref_slice %arg10[%dma_wait3A] : memref<640xf32, #tpu.memory_space<vmem>> -> memref<128xf32, #tpu.memory_space<vmem>>
    %dma_wait3A_65 = arith.constant 0 : i32
    %dma_wait3A_66 = tpu.memref_slice %arg8[%dma_wait3A_65] : memref<640xi32, #tpu.memory_space<vmem>> -> memref<128xi32, #tpu.memory_space<vmem>>
    %dma_wait3A_67 = arith.constant 0 : i32
    %dma_wait3A_68 = tpu.memref_slice %arg4[%dma_wait3A_67] : memref<8192xf32, #tpu.memory_space<hbm>> -> memref<8192xf32, #tpu.memory_space<hbm>>
    tpu.wait_indirect_dma semaphore(%arg13 : memref<!tpu.dma_semaphore, #tpu.memory_space<semaphore_mem>>) src(%dma_wait3A_68 : memref<8192xf32, #tpu.memory_space<hbm>>) dst(%dma_wait3A_64 : memref<128xf32, #tpu.memory_space<vmem>>)
    %dma_wait3A_69 = arith.constant 0 : i32
    %dma_wait3A_70 = tpu.memref_slice %arg11[%dma_wait3A_69] : memref<640xf32, #tpu.memory_space<vmem>> -> memref<128xf32, #tpu.memory_space<vmem>>
    %dma_wait3A_71 = arith.constant 0 : i32
    %dma_wait3A_72 = tpu.memref_slice %arg9[%dma_wait3A_71] : memref<640xi32, #tpu.memory_space<vmem>> -> memref<128xi32, #tpu.memory_space<vmem>>
    %dma_wait3A_73 = arith.constant 0 : i32
    %dma_wait3A_74 = tpu.memref_slice %arg5[%dma_wait3A_73] : memref<67108864xf32, #tpu.memory_space<hbm>> -> memref<67108864xf32, #tpu.memory_space<hbm>>
    tpu.wait_indirect_dma semaphore(%arg13 : memref<!tpu.dma_semaphore, #tpu.memory_space<semaphore_mem>>) src(%dma_wait3A_74 : memref<67108864xf32, #tpu.memory_space<hbm>>) dst(%dma_wait3A_70 : memref<128xf32, #tpu.memory_space<vmem>>)
    %dma_wait3A_75 = arith.constant 128 : i32
    %dma_wait3A_76 = tpu.memref_slice %arg10[%dma_wait3A_75] : memref<640xf32, #tpu.memory_space<vmem>> -> memref<128xf32, #tpu.memory_space<vmem>>
    %dma_wait3A_77 = arith.constant 128 : i32
    %dma_wait3A_78 = tpu.memref_slice %arg8[%dma_wait3A_77] : memref<640xi32, #tpu.memory_space<vmem>> -> memref<128xi32, #tpu.memory_space<vmem>>
    %dma_wait3A_79 = arith.constant 0 : i32
    %dma_wait3A_80 = tpu.memref_slice %arg4[%dma_wait3A_79] : memref<8192xf32, #tpu.memory_space<hbm>> -> memref<8192xf32, #tpu.memory_space<hbm>>
    tpu.wait_indirect_dma semaphore(%arg13 : memref<!tpu.dma_semaphore, #tpu.memory_space<semaphore_mem>>) src(%dma_wait3A_80 : memref<8192xf32, #tpu.memory_space<hbm>>) dst(%dma_wait3A_76 : memref<128xf32, #tpu.memory_space<vmem>>)
    %dma_wait3A_81 = arith.constant 128 : i32
    %dma_wait3A_82 = tpu.memref_slice %arg11[%dma_wait3A_81] : memref<640xf32, #tpu.memory_space<vmem>> -> memref<128xf32, #tpu.memory_space<vmem>>
    %dma_wait3A_83 = arith.constant 128 : i32
    %dma_wait3A_84 = tpu.memref_slice %arg9[%dma_wait3A_83] : memref<640xi32, #tpu.memory_space<vmem>> -> memref<128xi32, #tpu.memory_space<vmem>>
    %dma_wait3A_85 = arith.constant 0 : i32
    %dma_wait3A_86 = tpu.memref_slice %arg5[%dma_wait3A_85] : memref<67108864xf32, #tpu.memory_space<hbm>> -> memref<67108864xf32, #tpu.memory_space<hbm>>
    tpu.wait_indirect_dma semaphore(%arg13 : memref<!tpu.dma_semaphore, #tpu.memory_space<semaphore_mem>>) src(%dma_wait3A_86 : memref<67108864xf32, #tpu.memory_space<hbm>>) dst(%dma_wait3A_82 : memref<128xf32, #tpu.memory_space<vmem>>)
    %dma_wait3A_87 = arith.constant 256 : i32
    %dma_wait3A_88 = tpu.memref_slice %arg10[%dma_wait3A_87] : memref<640xf32, #tpu.memory_space<vmem>> -> memref<128xf32, #tpu.memory_space<vmem>>
    %dma_wait3A_89 = arith.constant 256 : i32
    %dma_wait3A_90 = tpu.memref_slice %arg8[%dma_wait3A_89] : memref<640xi32, #tpu.memory_space<vmem>> -> memref<128xi32, #tpu.memory_space<vmem>>
    %dma_wait3A_91 = arith.constant 0 : i32
    %dma_wait3A_92 = tpu.memref_slice %arg4[%dma_wait3A_91] : memref<8192xf32, #tpu.memory_space<hbm>> -> memref<8192xf32, #tpu.memory_space<hbm>>
    tpu.wait_indirect_dma semaphore(%arg13 : memref<!tpu.dma_semaphore, #tpu.memory_space<semaphore_mem>>) src(%dma_wait3A_92 : memref<8192xf32, #tpu.memory_space<hbm>>) dst(%dma_wait3A_88 : memref<128xf32, #tpu.memory_space<vmem>>)
    %dma_wait3A_93 = arith.constant 256 : i32
    %dma_wait3A_94 = tpu.memref_slice %arg11[%dma_wait3A_93] : memref<640xf32, #tpu.memory_space<vmem>> -> memref<128xf32, #tpu.memory_space<vmem>>
    %dma_wait3A_95 = arith.constant 256 : i32
    %dma_wait3A_96 = tpu.memref_slice %arg9[%dma_wait3A_95] : memref<640xi32, #tpu.memory_space<vmem>> -> memref<128xi32, #tpu.memory_space<vmem>>
    %dma_wait3A_97 = arith.constant 0 : i32
    %dma_wait3A_98 = tpu.memref_slice %arg5[%dma_wait3A_97] : memref<67108864xf32, #tpu.memory_space<hbm>> -> memref<67108864xf32, #tpu.memory_space<hbm>>
    tpu.wait_indirect_dma semaphore(%arg13 : memref<!tpu.dma_semaphore, #tpu.memory_space<semaphore_mem>>) src(%dma_wait3A_98 : memref<67108864xf32, #tpu.memory_space<hbm>>) dst(%dma_wait3A_94 : memref<128xf32, #tpu.memory_space<vmem>>)
    %dma_wait3A_99 = arith.constant 384 : i32
    %dma_wait3A_100 = tpu.memref_slice %arg10[%dma_wait3A_99] : memref<640xf32, #tpu.memory_space<vmem>> -> memref<128xf32, #tpu.memory_space<vmem>>
    %dma_wait3A_101 = arith.constant 384 : i32
    %dma_wait3A_102 = tpu.memref_slice %arg8[%dma_wait3A_101] : memref<640xi32, #tpu.memory_space<vmem>> -> memref<128xi32, #tpu.memory_space<vmem>>
    %dma_wait3A_103 = arith.constant 0 : i32
    %dma_wait3A_104 = tpu.memref_slice %arg4[%dma_wait3A_103] : memref<8192xf32, #tpu.memory_space<hbm>> -> memref<8192xf32, #tpu.memory_space<hbm>>
    tpu.wait_indirect_dma semaphore(%arg13 : memref<!tpu.dma_semaphore, #tpu.memory_space<semaphore_mem>>) src(%dma_wait3A_104 : memref<8192xf32, #tpu.memory_space<hbm>>) dst(%dma_wait3A_100 : memref<128xf32, #tpu.memory_space<vmem>>)
    %dma_wait3A_105 = arith.constant 384 : i32
    %dma_wait3A_106 = tpu.memref_slice %arg11[%dma_wait3A_105] : memref<640xf32, #tpu.memory_space<vmem>> -> memref<128xf32, #tpu.memory_space<vmem>>
    %dma_wait3A_107 = arith.constant 384 : i32
    %dma_wait3A_108 = tpu.memref_slice %arg9[%dma_wait3A_107] : memref<640xi32, #tpu.memory_space<vmem>> -> memref<128xi32, #tpu.memory_space<vmem>>
    %dma_wait3A_109 = arith.constant 0 : i32
    %dma_wait3A_110 = tpu.memref_slice %arg5[%dma_wait3A_109] : memref<67108864xf32, #tpu.memory_space<hbm>> -> memref<67108864xf32, #tpu.memory_space<hbm>>
    tpu.wait_indirect_dma semaphore(%arg13 : memref<!tpu.dma_semaphore, #tpu.memory_space<semaphore_mem>>) src(%dma_wait3A_110 : memref<67108864xf32, #tpu.memory_space<hbm>>) dst(%dma_wait3A_106 : memref<128xf32, #tpu.memory_space<vmem>>)
    %dma_wait3A_111 = arith.constant 512 : i32
    %dma_wait3A_112 = tpu.memref_slice %arg10[%dma_wait3A_111] : memref<640xf32, #tpu.memory_space<vmem>> -> memref<128xf32, #tpu.memory_space<vmem>>
    %dma_wait3A_113 = arith.constant 512 : i32
    %dma_wait3A_114 = tpu.memref_slice %arg8[%dma_wait3A_113] : memref<640xi32, #tpu.memory_space<vmem>> -> memref<128xi32, #tpu.memory_space<vmem>>
    %dma_wait3A_115 = arith.constant 0 : i32
    %dma_wait3A_116 = tpu.memref_slice %arg4[%dma_wait3A_115] : memref<8192xf32, #tpu.memory_space<hbm>> -> memref<8192xf32, #tpu.memory_space<hbm>>
    tpu.wait_indirect_dma semaphore(%arg13 : memref<!tpu.dma_semaphore, #tpu.memory_space<semaphore_mem>>) src(%dma_wait3A_116 : memref<8192xf32, #tpu.memory_space<hbm>>) dst(%dma_wait3A_112 : memref<128xf32, #tpu.memory_space<vmem>>)
    %dma_wait3A_117 = arith.constant 512 : i32
    %dma_wait3A_118 = tpu.memref_slice %arg11[%dma_wait3A_117] : memref<640xf32, #tpu.memory_space<vmem>> -> memref<128xf32, #tpu.memory_space<vmem>>
    %dma_wait3A_119 = arith.constant 512 : i32
    %dma_wait3A_120 = tpu.memref_slice %arg9[%dma_wait3A_119] : memref<640xi32, #tpu.memory_space<vmem>> -> memref<128xi32, #tpu.memory_space<vmem>>
    %dma_wait3A_121 = arith.constant 0 : i32
    %dma_wait3A_122 = tpu.memref_slice %arg5[%dma_wait3A_121] : memref<67108864xf32, #tpu.memory_space<hbm>> -> memref<67108864xf32, #tpu.memory_space<hbm>>
    tpu.wait_indirect_dma semaphore(%arg13 : memref<!tpu.dma_semaphore, #tpu.memory_space<semaphore_mem>>) src(%dma_wait3A_122 : memref<67108864xf32, #tpu.memory_space<hbm>>) dst(%dma_wait3A_118 : memref<128xf32, #tpu.memory_space<vmem>>)
    %broadcast_in_dim3A = arith.constant 0.000000e+00 : f32
    %broadcast_in_dim3A_123 = vector.broadcast %broadcast_in_dim3A : f32 to vector<16xf32>
    %broadcast_in_dim3A_124 = arith.constant 0.000000e+00 : f32
    %broadcast_in_dim3A_125 = vector.broadcast %broadcast_in_dim3A_124 : f32 to vector<16xf32>
    %scan3A_126 = arith.constant 0 : i32
    %scan3A_127 = arith.constant 40 : i32
    %scan3A_128 = arith.addi %scan3A_126, %scan3A_127 : i32
    %scan3A_129 = arith.constant 1 : i32
    %scan3A_130:2 = scf.for %scan3A_139 = %scan3A_126 to %scan3A_128 step %scan3A_129 iter_args(%scan3A_140 = %broadcast_in_dim3A_123, %scan3A_141 = %broadcast_in_dim3A_125) -> (vector<16xf32>, vector<16xf32>)  : i32 {
      %mul3A_142 = arith.constant 1 : i32
      %mul3A_143 = arith.muli %scan3A_139, %mul3A_142 : i32
      %add3A_144 = arith.constant 0 : i32
      %add3A_145 = arith.addi %add3A_144, %mul3A_143 : i32
      %mul3A_146 = arith.constant 16 : i32
      %mul3A_147 = arith.muli %add3A_145, %mul3A_146 : i32
      %get3A = arith.index_cast %mul3A_147 : i32 to index
      %get3A_148 = tpu.vector_load %arg10[%get3A] {strides = array<i32>} : memref<640xf32, #tpu.memory_space<vmem>>, vector<16xf32>,
      %get3A_149 = vector.shape_cast %get3A_148 : vector<16xf32> to vector<16xf32>
      %add3A_150 = arith.addf %scan3A_140, %get3A_149 : vector<16xf32>
      %get3A_151 = arith.index_cast %mul3A_147 : i32 to index
      %get3A_152 = tpu.vector_load %arg11[%get3A_151] {strides = array<i32>} : memref<640xf32, #tpu.memory_space<vmem>>, vector<16xf32>,
      %get3A_153 = vector.shape_cast %get3A_152 : vector<16xf32> to vector<16xf32>
      %add3A_154 = arith.addf %scan3A_141, %get3A_153 : vector<16xf32>
      scf.yield %add3A_150, %add3A_154 : vector<16xf32>, vector<16xf32>
    }
    %scan3A_131 = arith.constant 40 : i32
    %swap3A = arith.constant 0 : index
    %swap3A_132 = tpu.vector_load %arg12[%swap3A] {strides = array<i32>} : memref<16xf32, #tpu.memory_space<vmem>>, vector<16xf32>,
    %swap3A_133 = vector.shape_cast %swap3A_132 : vector<16xf32> to vector<16xf32>
    %swap3A_134 = vector.shape_cast %scan3A_130#0 : vector<16xf32> to vector<16xf32>
    tpu.vector_store %arg12[%swap3A], %swap3A_134 {strides = array<i32>} : memref<16xf32, #tpu.memory_space<vmem>>, vector<16xf32>,
    "tpu.region"() ({
      %run_scoped3A = tpu.sem_alloc : memref<!tpu.dma_semaphore, #tpu.memory_space<semaphore_mem>>
      %dma_start3A_139 = arith.constant 0 : i32
      %dma_start3A_140 = tpu.memref_slice %arg6[%add3A, %dma_start3A_139] : memref<32x16xf32, #tpu.memory_space<hbm>> -> memref<1x16xf32, #tpu.memory_space<hbm>>
      %dma_start3A_141 = tpu.memref_squeeze %dma_start3A_140 : memref<1x16xf32, #tpu.memory_space<hbm>> -> memref<16xf32, #tpu.memory_space<hbm>>
      %dma_start3A_142 = arith.constant 0 : i32
      %dma_start3A_143 = tpu.memref_slice %arg6[%add3A, %dma_start3A_142] : memref<32x16xf32, #tpu.memory_space<hbm>> -> memref<1x16xf32, #tpu.memory_space<hbm>>
      %dma_start3A_144 = tpu.memref_squeeze %dma_start3A_143 : memref<1x16xf32, #tpu.memory_space<hbm>> -> memref<16xf32, #tpu.memory_space<hbm>>
      tpu.enqueue_dma source(%arg12 : memref<16xf32, #tpu.memory_space<vmem>>) target(%dma_start3A_144 : memref<16xf32, #tpu.memory_space<hbm>>) target_semaphore(%run_scoped3A : memref<!tpu.dma_semaphore, #tpu.memory_space<semaphore_mem>>)
      %dma_wait3A_145 = arith.constant 0 : i32
      %dma_wait3A_146 = tpu.memref_slice %arg6[%add3A, %dma_wait3A_145] : memref<32x16xf32, #tpu.memory_space<hbm>> -> memref<1x16xf32, #tpu.memory_space<hbm>>
      %dma_wait3A_147 = tpu.memref_squeeze %dma_wait3A_146 : memref<1x16xf32, #tpu.memory_space<hbm>> -> memref<16xf32, #tpu.memory_space<hbm>>
      %dma_wait3A_148 = arith.constant 0 : i32
      %dma_wait3A_149 = tpu.memref_slice %arg6[%add3A, %dma_wait3A_148] : memref<32x16xf32, #tpu.memory_space<hbm>> -> memref<1x16xf32, #tpu.memory_space<hbm>>
      %dma_wait3A_150 = tpu.memref_squeeze %dma_wait3A_149 : memref<1x16xf32, #tpu.memory_space<hbm>> -> memref<16xf32, #tpu.memory_space<hbm>>
      tpu.wait_dma2 semaphore(%run_scoped3A : memref<!tpu.dma_semaphore, #tpu.memory_space<semaphore_mem>>) src(%arg12 : memref<16xf32, #tpu.memory_space<vmem>>) dst(%dma_wait3A_150 : memref<16xf32, #tpu.memory_space<hbm>>)
      tpu.yield
    }) : () -> ()
    %swap3A_135 = arith.constant 0 : index
    %swap3A_136 = tpu.vector_load %arg12[%swap3A_135] {strides = array<i32>} : memref<16xf32, #tpu.memory_space<vmem>>, vector<16xf32>,
    %swap3A_137 = vector.shape_cast %swap3A_136 : vector<16xf32> to vector<16xf32>
    %swap3A_138 = vector.shape_cast %scan3A_130#1 : vector<16xf32> to vector<16xf32>
    tpu.vector_store %arg12[%swap3A_135], %swap3A_138 {strides = array<i32>} : memref<16xf32, #tpu.memory_space<vmem>>, vector<16xf32>,
    "tpu.region"() ({
      %run_scoped3A = tpu.sem_alloc : memref<!tpu.dma_semaphore, #tpu.memory_space<semaphore_mem>>
      %dma_start3A_139 = arith.constant 0 : i32
      %dma_start3A_140 = tpu.memref_slice %arg7[%add3A, %dma_start3A_139] : memref<32x16xf32, #tpu.memory_space<hbm>> -> memref<1x16xf32, #tpu.memory_space<hbm>>
      %dma_start3A_141 = tpu.memref_squeeze %dma_start3A_140 : memref<1x16xf32, #tpu.memory_space<hbm>> -> memref<16xf32, #tpu.memory_space<hbm>>
      %dma_start3A_142 = arith.constant 0 : i32
      %dma_start3A_143 = tpu.memref_slice %arg7[%add3A, %dma_start3A_142] : memref<32x16xf32, #tpu.memory_space<hbm>> -> memref<1x16xf32, #tpu.memory_space<hbm>>
      %dma_start3A_144 = tpu.memref_squeeze %dma_start3A_143 : memref<1x16xf32, #tpu.memory_space<hbm>> -> memref<16xf32, #tpu.memory_space<hbm>>
      tpu.enqueue_dma source(%arg12 : memref<16xf32, #tpu.memory_space<vmem>>) target(%dma_start3A_144 : memref<16xf32, #tpu.memory_space<hbm>>) target_semaphore(%run_scoped3A : memref<!tpu.dma_semaphore, #tpu.memory_space<semaphore_mem>>)
      %dma_wait3A_145 = arith.constant 0 : i32
      %dma_wait3A_146 = tpu.memref_slice %arg7[%add3A, %dma_wait3A_145] : memref<32x16xf32, #tpu.memory_space<hbm>> -> memref<1x16xf32, #tpu.memory_space<hbm>>
      %dma_wait3A_147 = tpu.memref_squeeze %dma_wait3A_146 : memref<1x16xf32, #tpu.memory_space<hbm>> -> memref<16xf32, #tpu.memory_space<hbm>>
      %dma_wait3A_148 = arith.constant 0 : i32
      %dma_wait3A_149 = tpu.memref_slice %arg7[%add3A, %dma_wait3A_148] : memref<32x16xf32, #tpu.memory_space<hbm>> -> memref<1x16xf32, #tpu.memory_space<hbm>>
      %dma_wait3A_150 = tpu.memref_squeeze %dma_wait3A_149 : memref<1x16xf32, #tpu.memory_space<hbm>> -> memref<16xf32, #tpu.memory_space<hbm>>
      tpu.wait_dma2 semaphore(%run_scoped3A : memref<!tpu.dma_semaphore, #tpu.memory_space<semaphore_mem>>) src(%arg12 : memref<16xf32, #tpu.memory_space<vmem>>) dst(%dma_wait3A_150 : memref<16xf32, #tpu.memory_space<hbm>>)
      tpu.yield
    }) : () -> ()
    return
  }
}

module attributes {stable_mosaic.version = 14 : i64} {
  func.func @_lse_body(%arg0: i32, %arg1: memref<128x8192xf32, #tpu.memory_space<vmem>>, %arg2: memref<128xf32, #tpu.memory_space<vmem>>) attributes {dimension_semantics = [#tpu.dimension_semantics<arbitrary>], iteration_bounds = array<i64: 64>, scalar_prefetch = 0 : i64, scratch_operands = 0 : i64, tpu.core_type = #tpu.core_type<tc>, window_params = [{transform_indices = @transform_0, window_bounds = array<i64: 128, 8192>}, {transform_indices = @transform_1, window_bounds = array<i64: 128>}]} {
    %get3A = arith.constant 0 : index
    %get3A_0 = arith.constant 0 : index
    %get3A_1 = vector.load %arg1[%get3A, %get3A_0] : memref<128x8192xf32, #tpu.memory_space<vmem>>, vector<128x8192xf32>
    %reduce_max3A = arith.constant dense<0xFF800000> : vector<128xf32>
    %reduce_max3A_2 = vector.multi_reduction <maximumf>, %get3A_1, %reduce_max3A [1] : vector<128x8192xf32> to vector<128xf32>
    %broadcast_in_dim3A = vector.shape_cast %reduce_max3A_2 : vector<128xf32> to vector<128x1xf32>
    %sub3A = vector.broadcast %broadcast_in_dim3A : vector<128x1xf32> to vector<128x8192xf32>
    %sub3A_3 = arith.subf %get3A_1, %sub3A : vector<128x8192xf32>
    %exp3A = math.exp %sub3A_3 : vector<128x8192xf32>
    %reduce_sum3A = arith.constant dense<0.000000e+00> : vector<128xf32>
    %reduce_sum3A_4 = vector.multi_reduction <add>, %exp3A, %reduce_sum3A [1] : vector<128x8192xf32> to vector<128xf32>
    %squeeze3A = vector.shape_cast %broadcast_in_dim3A : vector<128x1xf32> to vector<128xf32>
    %log3A = math.log %reduce_sum3A_4 : vector<128xf32>
    %add3A = arith.addf %squeeze3A, %log3A : vector<128xf32>
    %swap3A = arith.constant 0 : index
    %swap3A_5 = vector.load %arg2[%swap3A] : memref<128xf32, #tpu.memory_space<vmem>>, vector<128xf32>
    tpu.vector_store %arg2[%swap3A], %add3A {strides = array<i32>} : memref<128xf32, #tpu.memory_space<vmem>>, vector<128xf32>,
    return
  }
  func.func @transform_0(%arg0: i32) -> (i32, i32) {
    %c0_i32 = arith.constant 0 : i32
    %c0_i32_0 = arith.constant 0 : i32
    return %arg0, %c0_i32 : i32, i32
  }
  func.func @transform_1(%arg0: i32) -> i32 {
    %c0_i32 = arith.constant 0 : i32
    return %arg0 : i32
  }
}

module attributes {stable_mosaic.version = 14 : i64} {
  func.func @_loss_body(%arg0: memref<4x128xf32, #tpu.memory_space<vmem>>, %arg1: memref<4x128xf32, #tpu.memory_space<vmem>>, %arg2: memref<1x1xf32, #tpu.memory_space<vmem>>) attributes {dimension_semantics = [], scalar_prefetch = 0 : i64, scratch_operands = 0 : i64, tpu.core_type = #tpu.core_type<tc>} {
    %get3A = arith.constant 0 : index
    %get3A_0 = arith.constant 0 : index
    %get3A_1 = vector.load %arg0[%get3A, %get3A_0] : memref<4x128xf32, #tpu.memory_space<vmem>>, vector<4x128xf32>
    %reduce_sum3A = vector.shape_cast %get3A_1 : vector<4x128xf32> to vector<1x4x128xf32>
    %reduce_sum3A_2 = arith.constant dense<0.000000e+00> : vector<1xf32>
    %reduce_sum3A_3 = vector.multi_reduction <add>, %reduce_sum3A, %reduce_sum3A_2 [1, 2] : vector<1x4x128xf32> to vector<1xf32>
    %reduce_sum3A_4 = vector.shape_cast %reduce_sum3A_3 : vector<1xf32> to vector<1x1x1xf32>
    %reduce_sum3A_5 = vector.extract %reduce_sum3A_4[0, 0, 0] : f32 from vector<1x1x1xf32>
    %get3A_6 = arith.constant 0 : index
    %get3A_7 = arith.constant 0 : index
    %get3A_8 = vector.load %arg1[%get3A_6, %get3A_7] : memref<4x128xf32, #tpu.memory_space<vmem>>, vector<4x128xf32>
    %reduce_sum3A_9 = vector.shape_cast %get3A_8 : vector<4x128xf32> to vector<1x4x128xf32>
    %reduce_sum3A_10 = arith.constant dense<0.000000e+00> : vector<1xf32>
    %reduce_sum3A_11 = vector.multi_reduction <add>, %reduce_sum3A_9, %reduce_sum3A_10 [1, 2] : vector<1x4x128xf32> to vector<1xf32>
    %reduce_sum3A_12 = vector.shape_cast %reduce_sum3A_11 : vector<1xf32> to vector<1x1x1xf32>
    %reduce_sum3A_13 = vector.extract %reduce_sum3A_12[0, 0, 0] : f32 from vector<1x1x1xf32>
    %sub3A = arith.subf %reduce_sum3A_5, %reduce_sum3A_13 : f32
    %div3A = arith.constant 2.048000e+04 : f32
    %div3A_14 = arith.divf %sub3A, %div3A : f32
    %reshape3A = vector.broadcast %div3A_14 : f32 to vector<1x1xf32>
    %swap3A = arith.constant 0 : index
    %swap3A_15 = arith.constant 0 : index
    %swap3A_16 = vector.load %arg2[%swap3A, %swap3A_15] : memref<1x1xf32, #tpu.memory_space<vmem>>, vector<1x1xf32>
    tpu.vector_store %arg2[%swap3A, %swap3A_15], %reshape3A {strides = array<i32>} : memref<1x1xf32, #tpu.memory_space<vmem>>, vector<1x1xf32>,
    return
  }
}

</mosaic_0001>

<sc_bundles>
// kernel: kernel.6.cloned.1.call-start
scs
__scs_entry_jumppad:
0x0: {  	(pc) =	sbr.rel $0x88, $3  }
0x1: {  	(tag) =	ssettag $0x0;
	lr =	simm.s32 $0x1  }
0x2: {  	[smem:$0x3F9E] =	sst lr;
	_ =	strace $0xD0000000  }
0x3: {  	_ = 	snop  }
0x4: {  	_ = 	snop  }
0x5: {  	_ = 	snop  }
0x6: {  	_ = 	snop  }
0x7: {  	_ = 	snop  }
__scs_overlays_trampoline_lowered:
0x8: {  	[smem:$0x3FAD] =	sst s0  }
0x9: {  	[smem:$0x3FAE] =	sst s1  }
0xa: {  	[smem:$0x3FAF] =	sst s2  }
0xb: {  	[smem:$0x3FB0] =	sst s3  }
0xc: {  	[smem:$0x3FB1] =	sst s4  }
0xd: {  	[smem:$0x3FB2] =	sst s5  }
0xe: {  	[smem:$0x3FB3] =	sst s6  }
0xf: {  	[smem:$0x3FB4] =	sst s7  }
0x10: {  	[smem:$0x3FB5] =	sst s8  }
0x11: {  	[smem:$0x3FB6] =	sst s9;
	s0 =	simm.s32 @!p0 $0x0  }
0x12: {  	s1 =	sld [smem:$0x3F9C];
	s0 =	simm.s32 @p0 $0x1  }
0x13: {  	[smem:$0x3FB7] =	sst s0;
	s0 =	simm.s32 @!p1 $0x0  }
0x14: {  	s2 =	sld [smem:$0x3F9B];
	s0 =	simm.s32 @p1 $0x1  }
0x15: {  	[smem:$0x3FB8] =	sst s0;
	s0 =	simm.s32 @!p2 $0x0  }
0x16: {  	s3 =	sld [smem:$0x3FDB];
	s0 =	simm.s32 @p2 $0x1  }
0x17: {  	s4 =	simm.s32 $0x1BF5;
	[smem:$0x3FBA] =	sst s0  }
0x18: {  	s0 =	sld [smem:$0x3F9D];
	_ =	swait.ge [sflag:s4], $0x0  }
0x19: {  	s7 =	sld [smem:$0x3F9E]  }
0x1a: {  	s8 =	sadd.s32 $0xFFFFE003, lr  }
0x1b: {  	s9 =	sadd.s32 $0xFFFFFEF7, lr;
	s5 =	simm.s32 $0xFFFFFFFF;
	p2 =	slt.u32 s8, $0xFFFFF086  }
0x1c: {  	p1 =	slt.u32 s9, $0xF7A;
	s5 =	simm.s32 @!p2 $0x0  }
0x1d: {  	s5 =	simm.s32 @p1 $0x1;
	p0 =	seq.s32 s7, s2  }
0x1e: {  	s7 =	smul.u32 @!p0 $0xF7A, s2;
	p2 =	seq.s32 @!p0 s5, $0x0  }
0x1f: {  	s9 =	smul.u32 $0xF7A, s1;
	s8 =	simm.s32 @!p0 $0x1BF5;
	p2 =	por !p2, p0  }
0x20: {  	[sflag:s8] =	ssyncset.s32 @!p0 $0xFFFFF086;
	s6 =	sadd.s32 @!p0 s3, s7;
	s7 =	simm.s32 @!p0 $0x108  }
0x21: {  	s3 =	sadd.s32 s3, s9;
	s6 =	sadd.s32 @!p0 $0x88, s6;
	s7 =	simm.s32 @p2 $0x1082  }
0x22: {  	[simem:s7], [sflag:s8] =	dma.local @!p0 [hbm:s6], $0xF7A  }
0x23: {  	s9 =	sor.u32 $0xD0000000, s2;
	s6 =	simm.s32 $0x108;
	_ =	swait.ge @!p0 [sflag:s8], $0x0  }
0x24: {  	s3 =	sadd.s32 $0x88, s3;
	s6 =	simm.s32 @!p1 $0x1082;
	[sflag:s4] =	ssyncset.s32 $0xFFFFF086  }
0x25: {  	[simem:s6], [sflag:s4] =	dma.local [hbm:s3], $0xF7A  }
0x26: {  	[smem:$0x3F9E] =	sst s1;
	(tag) =	ssettag s2;
	_ =	strace s9  }
0x27: {  	s1 =	sld [smem:$0x3FAE]  }
0x28: {  	s2 =	sld [smem:$0x3FAF]  }
0x29: {  	s4 =	sld [smem:$0x3FB1]  }
0x2a: {  	p0 =	seq.s32 s5, $0x0;
	s5 =	sld [smem:$0x3FB2]  }
0x2b: {  	s6 =	sld [smem:$0x3FB3]  }
0x2c: {  	s7 =	sld [smem:$0x3FB4]  }
0x2d: {  	s3 =	simm.s32 $0x108;
	s8 =	sld [smem:$0x3FB5]  }
0x2e: {  	s3 =	simm.s32 @!p0 $0x1082;
	s9 =	sld [smem:$0x3FB6]  }
0x2f: {  	lr =	sadd.s32 s0, s3;
	s0 =	sld [smem:$0x3FAD]  }
0x30: {  	s3 =	sld [smem:$0x3FB0]  }
0x31: {  	[smem:$0x3FB9] =	sst s10  }
0x32: {  	s10 =	sld [smem:$0x3FB7];
	_ =	sdelay $0x3  }
0x33: {  	p0 =	seq.s32 s10, $0x1;
	s10 =	sld [smem:$0x3FB9];
	_ =	sdelay $0x3  }
0x34: {  	[smem:$0x3FB9] =	sst s10  }
0x35: {  	s10 =	sld [smem:$0x3FB8];
	_ =	sdelay $0x3  }
0x36: {  	p1 =	seq.s32 s10, $0x1;
	s10 =	sld [smem:$0x3FB9];
	_ =	sdelay $0x3  }
0x37: {  	[smem:$0x3FB9] =	sst s10  }
0x38: {  	s10 =	sld [smem:$0x3FBA]  }
0x39: {  	_ = 	snop;
	(pc) =	sbr.ind lr, $3  }
0x3a: {  	_ = 	snop  }
0x3b: {  	_ = 	snop  }
0x3c: {  	p2 =	seq.s32 s10, $0x1;
	s10 =	sld [smem:$0x3FB9]  }
0x3d: {  	_ =	shalt  }
0x3e: {  	_ =	shalt  }
0x3f: {  	_ =	shalt  }
0x40: {  	_ =	shalt  }
0x41: {  	_ =	shalt  }
0x42: {  	_ =	shalt  }
0x43: {  	_ =	shalt  }
0x44: {  	_ =	shalt  }
0x45: {  	_ =	shalt  }
0x46: {  	_ =	shalt  }
0x47: {  	_ =	shalt  }
0x48: {  	_ =	shalt  }
0x49: {  	_ =	shalt  }
0x4a: {  	_ =	shalt  }
0x4b: {  	_ =	shalt  }
0x4c: {  	_ =	shalt  }
0x4d: {  	_ =	shalt  }
0x4e: {  	_ =	shalt  }
0x4f: {  	_ =	shalt  }
0x50: {  	_ =	shalt  }
0x51: {  	_ =	shalt  }
0x52: {  	_ =	shalt  }
0x53: {  	_ =	shalt  }
0x54: {  	_ =	shalt  }
0x55: {  	_ =	shalt  }
0x56: {  	_ =	shalt  }
0x57: {  	_ =	shalt  }
0x58: {  	_ =	shalt  }
0x59: {  	_ =	shalt  }
0x5a: {  	_ =	shalt  }
0x5b: {  	_ =	shalt  }
0x5c: {  	_ =	shalt  }
0x5d: {  	_ =	shalt  }
0x5e: {  	_ =	shalt  }
0x5f: {  	_ =	shalt  }
0x60: {  	_ =	shalt  }
0x61: {  	_ =	shalt  }
0x62: {  	_ =	shalt  }
0x63: {  	_ =	shalt  }
0x64: {  	_ =	shalt  }
0x65: {  	_ =	shalt  }
0x66: {  	_ =	shalt  }
0x67: {  	_ =	shalt  }
0x68: {  	_ =	shalt  }
0x69: {  	_ =	shalt  }
0x6a: {  	_ =	shalt  }
0x6b: {  	_ =	shalt  }
0x6c: {  	_ =	shalt  }
0x6d: {  	_ =	shalt  }
0x6e: {  	_ =	shalt  }
0x6f: {  	_ =	shalt  }
0x70: {  	_ =	shalt  }
0x71: {  	_ =	shalt  }
0x72: {  	_ =	shalt  }
0x73: {  	_ =	shalt  }
0x74: {  	_ =	shalt  }
0x75: {  	_ =	shalt  }
0x76: {  	_ =	shalt  }
0x77: {  	_ =	shalt  }
0x78: {  	_ =	shalt  }
0x79: {  	_ =	shalt  }
0x7a: {  	_ =	shalt  }
0x7b: {  	_ =	shalt  }
0x7c: {  	_ =	shalt  }
0x7d: {  	_ =	shalt  }
0x7e: {  	_ =	shalt  }
0x7f: {  	_ =	shalt  }
0x80: {  	_ =	shalt  }
0x81: {  	_ =	shalt  }
0x82: {  	_ =	shalt  }
0x83: {  	_ =	shalt  }
0x84: {  	_ =	shalt  }
0x85: {  	_ =	shalt  }
0x86: {  	_ =	shalt  }
0x87: {  	_ =	shalt  }
.Lfunc_end0:
.L_simem_size_0:
called_computation.1_lowered:
.L_overlay_start_0:
0x88: {  	s2 =	sld [smem:$0x3FD9]  }
0x89: {  	s3 =	sld [smem:$0x3FFE];
	_ =	sdelay $0x1  }
0x8a: {  	s1 =	srdreg.scid  }
0x8b: {  	s0 =	sand.u32 $0x1, s1  }
0x8c: {  	s15 =	sshll.u32 s0, $0xA;
	s2 =	sadd.s32 s3, s2  }
0x8d: {  	s2 =	sadd.s32 s2, s15  }
0x8e: {  	[smem:$0x3FC5] =	sst s2  }
0x8f: {  	_ = 	snop  }
0x90: {  	s16 =	sld [smem:$0x3FD0];
	_ =	sdelay $0x2  }
0x91: {  	s4 =	simm.s32 $0xB;
	s5 =	simm.s32 $0x10;
	s2 =	sld [smem:$0x3FC7]  }
0x92: {  	[smem:s5], [sflag:s4] =	dma.local [hbm:s16], $0x1  }
0x93: {  	_ =	swait.eq [sflag:s4], $0x1  }
0x94: {  	[sflag:s4] =	ssyncset.done $0x0  }
0x95: {  	[sflag:s4] =	ssyncadd.s32 $0xFFFFFFFF  }
0x96: {  	s17 =	sld [smem:$0x10];
	(tm) =	ssettm $0x1  }
0x97: {  	s18 =	sld [smem:$0x3FFB];
	_ =	sdelay $0x3  }
0x98: {  	_ =	strace s18  }
0x99: {  	s3 =	sld [smem:$0x3FFC];
	_ =	sdelay $0x3  }
0x9a: {  	_ =	strace s3  }
0x9b: {  	s3 =	sld [smem:$0x3FFD];
	_ =	sdelay $0x3  }
0x9c: {  	_ =	strace s3  }
0x9d: {  	_ =	strace $0x8FFFFFFF  }
0x9e: {  	s19 =	sld [smem:$0x3FDB];
	_ =	sdelay $0x1  }
0x9f: {  	s20 =	simm.s32 $_scs_section_size  }
0xa0: {  	s6 =	simm.s32 $_size__tile_overlayer_lowered;
	s7 =	simm.s32 $_tile_overlayer_lowered  }
0xa1: {  	s8 =	simm.s32 $0x1BFF;
	s21 =	sshll.u32 s7, $0x1;
	s5 =	sadd.s32 s20, s19  }
0xa2: {  	s22 =	simm.s32 $0x0;
	s6 =	sshll.u32 s6, $0x1;
	s7 =	sadd.s32 s21, s5  }
0xa3: {  	[timem:s22], [sflag:s8] =	dma.local [hbm:s7], s6  }
0xa4: {  	_ =	swait.ge [sflag:s8], s6  }
0xa5: {  	s6 =	ssub.s32 $0x0, s6;
	[sflag:s8] =	ssyncset.done $0x0  }
0xa6: {  	[sflag:s8] =	ssyncadd.s32 s6;
	_ =	sdelay $0x1  }
0xa7: {  	s23 =	simm.s32 $0x1B8B  }
0xa8: {  	_ =	swait.ge [sflag:s23], $0x1  }
0xa9: {  	[sflag:s23] =	ssyncset.done $0x0  }
0xaa: {  	[sflag:s23] =	ssyncadd.s32 $0xFFFFFFFF  }
0xab: {  	s6 =	sld [smem:$0x0]  }
0xac: {  	s7 =	sand.u32 $0xFFFFFFFE, s1  }
0xad: {  	p0 =	sne.s32 s1, s7  }
0xae: {  	s7 =	sshll.u32 @p0 s7, $0xE  }
0xaf: {  	s7 =	sadd.s32 @p0 $0x11B8D, s7;
	s8 =	sshll.u32 @p0 s6, $0x11  }
0xb0: {  	s7 =	sor.u32 @p0 s8, s7  }
0xb1: {  	[sflag:s7] =	ssyncadd.remote.s32 @p0 $0x1;
	_ =	sdelay $0x1  }
0xb2: {  	s7 =	simm.s32 @p0 $0x1B8D  }
0xb3: {  	_ =	swait.eq @p0 [sflag:s7], $0x1  }
0xb4: {  	[sflag:s7] =	ssyncadd.s32 @p0 $0xFFFFFFFF  }
0xb5: {  	s8 =	sshll.u32 @!p0 s1, $0xE  }
0xb6: {  	s8 =	sor.u32 @!p0 $0x4000, s8;
	s7 =	simm.s32 @!p0 $0x1B8D  }
0xb7: {  	s6 =	sshll.u32 @!p0 s6, $0x11;
	s8 =	sadd.s32 @!p0 $0x11B8D, s8;
	_ =	swait.eq @!p0 [sflag:s7], $0x1  }
0xb8: {  	s6 =	sor.u32 @!p0 s6, s8;
	[sflag:s7] =	ssyncadd.s32 @!p0 $0xFFFFFFFF  }
0xb9: {  	s25 =	simm.s32 $0x1B8E;
	s24 =	sld [smem:$0x3FFE];
	[sflag:s6] =	ssyncadd.remote.s32 @!p0 $0x1  }
0xba: {  	s26 =	simm.s32 $execute0_lowered;
	[smem:$0x3FD2] =	sst s25  }
0xbb: {  	s7 =	sshll.u32 s26, $0x1;
	_ =	strace $0x8000004C;
	[dreg:$0x1] =	wrdreg $0xFFFFFFFF  }
0xbc: {  	s28 =	simm.s32 $_size_execute0_lowered;
	s5 =	sadd.s32 s5, s7;
	[dreg:$0x0] =	wrdreg $0x0  }
0xbd: {  	s7 =	sshll.u32 s28, $0x1;
	[dreg:$0x2] =	wrdreg s5  }
0xbe: {  	[dreg:$0x3] =	wrdreg s7  }
0xbf: {  	[dreg:$0x4] =	wrdreg $0xC0  }
0xc0: {  	_ =	task [dreg:s22], $0x5FFFF  }
0xc1: {  	[dreg:$0x1] =	wrdreg $0xFFFFFFFF  }
0xc2: {  	[dreg:$0x0] =	wrdreg $0x60  }
0xc3: {  	[dreg:$0x2] =	wrdreg s2  }
0xc4: {  	[dreg:$0x3] =	wrdreg s24  }
0xc5: {  	[dreg:$0x4] =	wrdreg s17  }
0xc6: {  	[dreg:$0x5] =	wrdreg $0x9  }
0xc7: {  	_ =	task.clear_ibuf [dreg:s22], $0x6FFFF;
	_ =	strace $0x9000004C  }
0xc8: {  	s29 =	simm.s32 $0x9;
	_ =	strace $0x8000004E  }
0xc9: {  	_ =	swait.ge [sflag:s29], $0x1  }
0xca: {  	[sflag:s29] =	ssyncadd.s32 $0xFFFFFFFF  }
0xcb: {  	_ =	strace $0x9000004E  }
0xcc: {  	_ =	sfence  }
0xcd: {  	s30 =	sld [smem:$0x0];
	_ =	sdelay $0x2  }
0xce: {  	s31 =	sshll.u32 s1, $0xD;
	s1 =	sshrl.u32 s1, $0x2  }
0xcf: {  	s4 =	sand.u32 $0x4000, s31;
	s1 =	sadd.s32 s1, s30  }
0xd0: {  	s0 =	sor.u32 s4, s0;
	s1 =	sshll.u32 s1, $0x11  }
0xd1: {  	s0 =	sor.u32 s1, s0  }
0xd2: {  	s0 =	sadd.s32 $0x8F2B, s0  }
0xd3: {  	[sflag:s0] =	ssyncadd.remote.s32 $0x1  }
0xd4: {  	_ =	sfence.sel $0xFFFF  }
0xd5: {  	[dreg:$0x0] =	wrdreg $0xFFFFFFFF;
	(pc) =	sbr.abs _section_cstart, $3  }
0xd6: {  	[dreg:$0x1] =	wrdreg $0xFFFFFFFF  }
0xd7: {  	_ =	task.clear_ibuf [dreg:s22], $0x2FFFF;
	_ =	strace $0x9FFFFFFF  }
0xd8: {  	(tm) =	ssettm $0x7FFFFFFF  }
0xd9: {  	_ =	shalt  }
tec
execute0_lowered:
.L_overlay_start_1:
0x0: {  	(tag) =	ssettag $0x1  }
0x1: {  	s20 =	rddreg [dreg:$0x0]  }
0x2: {  	s0 =	rddreg [dreg:$0x1];
	s1 =	srdreg.scid  }
0x3: {  	s18 =	stileid.u32;
	s2 =	rddreg [dreg:$0x2]  }
0x4: {  	s24 =	simm.s32 $0x2800;
	s29 =	simm.s32 $0x1;
	s30 =	simm.s32 $0xA800  }
0x5: {  	s21 =	simm.s32 $0x12000;
	s23 =	simm.s32 $0x2;
	s26 =	simm.s32 $0x0  }
0x6: {  	s1 =	sand.u32 $0x1, s1;
	s3 =	sshll.u32 s18, $0x1;
	s7 =	sadd.s32 $0x300, s20  }
0x7: {  	s8 =	sadd.s32 $0x400, s20;
	s9 =	sadd.s32 $0x500, s20;
	s10 =	sadd.s32 $0x600, s20  }
0x8: {  	s11 =	sadd.s32 $0x700, s20;
	s12 =	sadd.s32 $0x800, s20;
	s13 =	sadd.s32 $0x900, s20  }
0x9: {  	s14 =	sadd.s32 $0xA00, s20;
	s15 =	sadd.s32 $0xB00, s20;
	s16 =	sadd.s32 $0xC00, s20  }
0xa: {  	s17 =	sadd.s32 $0xD00, s20;
	s31 =	smul.u32 $0x140000, s18;
	s18 =	sadd.s32 $0xE00, s20  }
0xb: {  	s19 =	sadd.s32 $0xF00, s20;
	s4 =	sor.u32 s1, s3;
	s3 =	simm.s32 $0x0  }
0xc: {  	s5 =	ssub.s32 $0x2, s1;
	s1 =	smul.u32 $0xA0000, s1;
	[smem:$0x7FF] =	sst s3  }
0xd: {  	s4 =	smul.u32 $0x500, s4;
	s6 =	sshrl.u32 s5, $0x1;
	_ =	strace $0x8000004D  }
.Ltmp0:
0xe: {  	s28 =	ssub.s32 s5, s6;
	s5 =	sadd.s32 $0x100, s20;
	(pc) =	sbr.rel .LBB2_1-.Ltmp0, $4  }
0xf: {  	s6 =	sadd.s32 $0x200, s20;
	s0 =	sadd.s32 s4, s0;
	s4 =	smax.u32 s28, $0x1  }
0x10: {  	v0 =	vlaneseq.u32;
	s20 =	sadd.s32 $0x1000, s20;
	s0 =	sadd.s32 $0x803400, s0;
	[dreg:$0x5] =	wrdreg s4  }
0x11: {  	v1 =	vshrl.u32 v0, $0x3;
	s4 =	simm.s32 $0x11800;
	[dreg:$0x4] =	wrdreg s0;
	s0 =	sadd.s32 s31, s2  }
0x12: {  	vm0 =	vmmov $0xffff;
	v0 =	vand.u32 $0x7, v0;
	v1 =	vmul.u32 $0x8, v1;
	s22 =	sadd.s32 s1, s0;
	s0 =	simm.s32 $0x11000;
	s1 =	simm.s32 $0x3  }
.LBB2_4:
0x13: {  	s2 =	simm.s32 $0x4  }
0x14: {  	_ =	swait.ge [sflag:s2], $0x8000  }
0x15: {  	s26 =	rddreg [dreg:$0x6]  }
0x16: {  	s25 =	rddreg [dreg:$0x5];
	s26 =	sadd.s32 $0x1, s26  }
0x17: {  	p0 =	sne.s32 s26, s25  }
.Ltmp1:
0x18: {  	_ = 	snop;
	(pc) =	sbr.rel @!p0 .LBB2_5-.Ltmp1, $3  }
0x19: {  	_ =	sdelay $0x1  }
0x1a: {  	[sflag:s2] =	ssyncset.done $0x0  }
0x1b: {  	[sflag:s2] =	ssyncadd.s32 $0xFFFF8000  }
.LBB2_1:
0x1c: {  	[dreg:$0x6] =	wrdreg s26  }
0x1d: {  	s25 =	rddreg [dreg:$0x4];
	s2 =	simm.s32 $0x5  }
0x1e: {  	[tilespmem:s3], [sflag:$0x5] =	stream.linear.gather [hbm4b:s25+s3], $0x2800, $0x38;
	[tilespmem:$0x12800] =	vst v63  }
0x1f: {  	_ =	swait.ge [sflag:s2], $0x2800  }
0x20: {  	[sflag:s2] =	ssyncset.done $0x0  }
0x21: {  	[sflag:s2] =	ssyncadd.s32 $0xFFFFD800  }
0x22: {  	v2 =	vld.msk [tilespmem:$0x0], $0xff;
	_ =	sdelay $0x4  }
0x23: {  	v3 =	vshll.u32 v2, $0x6  }
0x24: {  	v2 =	vand.u32 $0x7, v2;
	v3 =	vand.u32 $0xFFFFFE00, v3  }
0x25: {  	v2 =	vor.u32 v2, v3  }
0x26: {  	v2 =	vperm.xlane v2, v0;
	_ =	sdelay $0x1  }
0x27: {  	v2 =	vadd.s32 v1, v2;
	_ =	sdelay $0x3  }
0x28: {  	s25 =	rddreg [dreg:$0x0]  }
0x29: {  	[tilespmem:s24], [sflag:$0x1] =	stream.indirect_vreg.gather [hbm4b:s25+s3], $0x80, v2, vm0, $0xb8;
	[tilespmem:$0x12800] =	vst v63  }
0x2a: {  	s26 =	simm.s32 $0x3000  }
0x2b: {  	[tilespmem:s26], [sflag:$0x1] =	stream.indirect_vreg.gather [hbm4b:s5+s3], $0x80, v2, vm0, $0xb8;
	[tilespmem:$0x12800] =	vst v63  }
0x2c: {  	s28 =	simm.s32 $0x3800  }
0x2d: {  	[tilespmem:s28], [sflag:$0x1] =	stream.indirect_vreg.gather [hbm4b:s6+s3], $0x80, v2, vm0, $0xb8;
	[tilespmem:$0x12800] =	vst v63  }
0x2e: {  	s31 =	simm.s32 $0x4000  }
0x2f: {  	[tilespmem:s31], [sflag:$0x1] =	stream.indirect_vreg.gather [hbm4b:s7+s3], $0x80, v2, vm0, $0xb8;
	[tilespmem:$0x12800] =	vst v63  }
0x30: {  	s2 =	simm.s32 $0x4800  }
0x31: {  	[tilespmem:s2], [sflag:$0x1] =	stream.indirect_vreg.gather [hbm4b:s8+s3], $0x80, v2, vm0, $0xb8;
	[tilespmem:$0x12800] =	vst v63  }
0x32: {  	s26 =	simm.s32 $0x5000  }
0x33: {  	[tilespmem:s26], [sflag:$0x1] =	stream.indirect_vreg.gather [hbm4b:s9+s3], $0x80, v2, vm0, $0xb8;
	[tilespmem:$0x12800] =	vst v63  }
0x34: {  	s28 =	simm.s32 $0x5800  }
0x35: {  	[tilespmem:s28], [sflag:$0x1] =	stream.indirect_vreg.gather [hbm4b:s10+s3], $0x80, v2, vm0, $0xb8;
	[tilespmem:$0x12800] =	vst v63  }
0x36: {  	s31 =	simm.s32 $0x6000  }
0x37: {  	[tilespmem:s31], [sflag:$0x1] =	stream.indirect_vreg.gather [hbm4b:s11+s3], $0x80, v2, vm0, $0xb8;
	[tilespmem:$0x12800] =	vst v63  }
0x38: {  	s2 =	simm.s32 $0x6800  }
0x39: {  	[tilespmem:s2], [sflag:$0x1] =	stream.indirect_vreg.gather [hbm4b:s12+s3], $0x80, v2, vm0, $0xb8;
	[tilespmem:$0x12800] =	vst v63  }
0x3a: {  	s26 =	simm.s32 $0x7000  }
0x3b: {  	[tilespmem:s26], [sflag:$0x1] =	stream.indirect_vreg.gather [hbm4b:s13+s3], $0x80, v2, vm0, $0xb8;
	[tilespmem:$0x12800] =	vst v63  }
0x3c: {  	s28 =	simm.s32 $0x7800  }
0x3d: {  	[tilespmem:s28], [sflag:$0x1] =	stream.indirect_vreg.gather [hbm4b:s14+s3], $0x80, v2, vm0, $0xb8;
	[tilespmem:$0x12800] =	vst v63  }
0x3e: {  	s31 =	simm.s32 $0x8000  }
0x3f: {  	[tilespmem:s31], [sflag:$0x1] =	stream.indirect_vreg.gather [hbm4b:s15+s3], $0x80, v2, vm0, $0xb8;
	[tilespmem:$0x12800] =	vst v63  }
0x40: {  	s2 =	simm.s32 $0x8800  }
0x41: {  	[tilespmem:s2], [sflag:$0x1] =	stream.indirect_vreg.gather [hbm4b:s16+s3], $0x80, v2, vm0, $0xb8;
	[tilespmem:$0x12800] =	vst v63  }
0x42: {  	s26 =	simm.s32 $0x9000  }
0x43: {  	[tilespmem:s26], [sflag:$0x1] =	stream.indirect_vreg.gather [hbm4b:s17+s3], $0x80, v2, vm0, $0xb8;
	[tilespmem:$0x12800] =	vst v63  }
0x44: {  	s28 =	simm.s32 $0x9800  }
0x45: {  	[tilespmem:s28], [sflag:$0x1] =	stream.indirect_vreg.gather [hbm4b:s18+s3], $0x80, v2, vm0, $0xb8;
	[tilespmem:$0x12800] =	vst v63  }
0x46: {  	s25 =	simm.s32 $0x80;
	s31 =	simm.s32 $0xA000;
	s26 =	simm.s32 $0x0  }
0x47: {  	[tilespmem:s31], [sflag:$0x1] =	stream.indirect_vreg.gather [hbm4b:s19+s3], $0x80, v2, vm0, $0xb8;
	[tilespmem:$0x12800] =	vst v63  }
.LBB2_2:
0x48: {  	_ =	swait.ge [sflag:s29], $0x8000  }
0x49: {  	p0 =	seq.s32 s26, $0x0;
	[sflag:s29] =	ssyncset.done $0x0  }
0x4a: {  	s28 =	sadd.s32 s26, s22;
	s31 =	simm.s32 @!p0 $0x4;
	[sflag:s29] =	ssyncadd.s32 $0xFFFF8000  }
0x4b: {  	[hbm4b:s28+s3] =	stream.linear.scatter [tilespmem:s24], [sflag:$0x3], $0x8000, $0x38;
	[tilespmem:$0x12800] =	vst v63  }
0x4c: {  	_ =	swait.ge @!p0 [sflag:s31], $0x8000  }
0x4d: {  	[sflag:s31] =	ssyncset.done @!p0 $0x0  }
0x4e: {  	[sflag:s31] =	ssyncadd.s32 @!p0 $0xFFFF8000  }
0x4f: {  	v2 =	vld.msk [tilespmem:s25+$0xFFFFFF80], $0xff;
	_ =	sdelay $0x4  }
0x50: {  	v3 =	vshll.u32 v2, $0x6  }
0x51: {  	v2 =	vand.u32 $0x7, v2;
	v3 =	vand.u32 $0xFFFFFE00, v3  }
0x52: {  	v2 =	vor.u32 v2, v3  }
0x53: {  	v2 =	vperm.xlane v2, v0;
	_ =	sdelay $0x1  }
0x54: {  	v2 =	vadd.s32 v1, v2;
	_ =	sdelay $0x4  }
0x55: {  	[tilespmem:s30], [sflag:$0x2] =	stream.indirect_vreg.gather [hbm4b:s20+s3], $0x80, v2, vm0, $0xb8;
	[tilespmem:$0x12800] =	vst v63  }
0x56: {  	s2 =	simm.s32 $0xB000;
	s31 =	sadd.s32 $0x100, s20  }
0x57: {  	[tilespmem:s2], [sflag:$0x2] =	stream.indirect_vreg.gather [hbm4b:s31+s3], $0x80, v2, vm0, $0xb8;
	[tilespmem:$0x12800] =	vst v63  }
0x58: {  	s31 =	sadd.s32 $0x200, s20;
	s2 =	simm.s32 $0xB800  }
0x59: {  	[tilespmem:s2], [sflag:$0x2] =	stream.indirect_vreg.gather [hbm4b:s31+s3], $0x80, v2, vm0, $0xb8;
	[tilespmem:$0x12800] =	vst v63  }
0x5a: {  	s31 =	sadd.s32 $0x300, s20;
	s2 =	simm.s32 $0xC000  }
0x5b: {  	[tilespmem:s2], [sflag:$0x2] =	stream.indirect_vreg.gather [hbm4b:s31+s3], $0x80, v2, vm0, $0xb8;
	[tilespmem:$0x12800] =	vst v63  }
0x5c: {  	s31 =	sadd.s32 $0x400, s20;
	s2 =	simm.s32 $0xC800  }
0x5d: {  	[tilespmem:s2], [sflag:$0x2] =	stream.indirect_vreg.gather [hbm4b:s31+s3], $0x80, v2, vm0, $0xb8;
	[tilespmem:$0x12800] =	vst v63  }
0x5e: {  	s31 =	sadd.s32 $0x500, s20;
	s2 =	simm.s32 $0xD000  }
0x5f: {  	[tilespmem:s2], [sflag:$0x2] =	stream.indirect_vreg.gather [hbm4b:s31+s3], $0x80, v2, vm0, $0xb8;
	[tilespmem:$0x12800] =	vst v63  }
0x60: {  	s31 =	sadd.s32 $0x600, s20;
	s2 =	simm.s32 $0xD800  }
0x61: {  	[tilespmem:s2], [sflag:$0x2] =	stream.indirect_vreg.gather [hbm4b:s31+s3], $0x80, v2, vm0, $0xb8;
	[tilespmem:$0x12800] =	vst v63  }
0x62: {  	s31 =	sadd.s32 $0x700, s20;
	s2 =	simm.s32 $0xE000  }
0x63: {  	[tilespmem:s2], [sflag:$0x2] =	stream.indirect_vreg.gather [hbm4b:s31+s3], $0x80, v2, vm0, $0xb8;
	[tilespmem:$0x12800] =	vst v63  }
0x64: {  	s31 =	sadd.s32 $0x800, s20;
	s2 =	simm.s32 $0xE800  }
0x65: {  	[tilespmem:s2], [sflag:$0x2] =	stream.indirect_vreg.gather [hbm4b:s31+s3], $0x80, v2, vm0, $0xb8;
	[tilespmem:$0x12800] =	vst v63  }
0x66: {  	s31 =	sadd.s32 $0x900, s20;
	s2 =	simm.s32 $0xF000  }
0x67: {  	[tilespmem:s2], [sflag:$0x2] =	stream.indirect_vreg.gather [hbm4b:s31+s3], $0x80, v2, vm0, $0xb8;
	[tilespmem:$0x12800] =	vst v63  }
0x68: {  	s31 =	sadd.s32 $0xA00, s20;
	s2 =	simm.s32 $0xF800  }
0x69: {  	[tilespmem:s2], [sflag:$0x2] =	stream.indirect_vreg.gather [hbm4b:s31+s3], $0x80, v2, vm0, $0xb8;
	[tilespmem:$0x12800] =	vst v63  }
0x6a: {  	s31 =	sadd.s32 $0xB00, s20;
	s2 =	simm.s32 $0x10000  }
0x6b: {  	[tilespmem:s2], [sflag:$0x2] =	stream.indirect_vreg.gather [hbm4b:s31+s3], $0x80, v2, vm0, $0xb8;
	[tilespmem:$0x12800] =	vst v63  }
0x6c: {  	s31 =	sadd.s32 $0xC00, s20;
	s2 =	simm.s32 $0x10800  }
0x6d: {  	[tilespmem:s2], [sflag:$0x2] =	stream.indirect_vreg.gather [hbm4b:s31+s3], $0x80, v2, vm0, $0xb8;
	[tilespmem:$0x12800] =	vst v63  }
0x6e: {  	s2 =	sadd.s32 $0xD00, s20  }
0x6f: {  	[tilespmem:s0], [sflag:$0x2] =	stream.indirect_vreg.gather [hbm4b:s2+s3], $0x80, v2, vm0, $0xb8;
	[tilespmem:$0x12800] =	vst v63  }
0x70: {  	s2 =	sadd.s32 $0xE00, s20  }
0x71: {  	[tilespmem:s4], [sflag:$0x2] =	stream.indirect_vreg.gather [hbm4b:s2+s3], $0x80, v2, vm0, $0xb8;
	[tilespmem:$0x12800] =	vst v63  }
0x72: {  	s2 =	sadd.s32 $0xF00, s20  }
0x73: {  	[tilespmem:s21], [sflag:$0x2] =	stream.indirect_vreg.gather [hbm4b:s2+s3], $0x80, v2, vm0, $0xb8;
	[tilespmem:$0x12800] =	vst v63  }
0x74: {  	_ =	swait.ge [sflag:s23], $0x8000  }
0x75: {  	p0 =	seq.s32 s26, $0x9E000;
	[sflag:s23] =	ssyncset.done $0x0  }
.Ltmp2:
0x76: {  	s28 =	sadd.s32 $0x1000, s28;
	[sflag:s23] =	ssyncadd.s32 $0xFFFF8000;
	(pc) =	sbr.rel @p0 .LBB2_4-.Ltmp2, $4  }
0x77: {  	[hbm4b:s28+s3] =	stream.linear.scatter [tilespmem:s30], [sflag:$0x4], $0x8000, $0x38;
	[tilespmem:$0x12800] =	vst v63  }
0x78: {  	_ =	swait.ge [sflag:s1], $0x8000  }
0x79: {  	[sflag:s1] =	ssyncset.done $0x0  }
0x7a: {  	[sflag:s1] =	ssyncadd.s32 $0xFFFF8000  }
0x7b: {  	v2 =	vld.msk [tilespmem:s25+$0x0], $0xff;
	_ =	sdelay $0x4  }
0x7c: {  	v3 =	vshll.u32 v2, $0x6  }
0x7d: {  	v2 =	vand.u32 $0x7, v2;
	v3 =	vand.u32 $0xFFFFFE00, v3  }
0x7e: {  	v2 =	vor.u32 v2, v3  }
0x7f: {  	v2 =	vperm.xlane v2, v0;
	_ =	sdelay $0x1  }
0x80: {  	v2 =	vadd.s32 v1, v2;
	_ =	sdelay $0x3  }
0x81: {  	s28 =	rddreg [dreg:$0x0]  }
0x82: {  	[tilespmem:s24], [sflag:$0x1] =	stream.indirect_vreg.gather [hbm4b:s28+s3], $0x80, v2, vm0, $0xb8;
	[tilespmem:$0x12800] =	vst v63  }
0x83: {  	s31 =	simm.s32 $0x3000  }
0x84: {  	[tilespmem:s31], [sflag:$0x1] =	stream.indirect_vreg.gather [hbm4b:s5+s3], $0x80, v2, vm0, $0xb8;
	[tilespmem:$0x12800] =	vst v63  }
0x85: {  	s2 =	simm.s32 $0x3800  }
0x86: {  	[tilespmem:s2], [sflag:$0x1] =	stream.indirect_vreg.gather [hbm4b:s6+s3], $0x80, v2, vm0, $0xb8;
	[tilespmem:$0x12800] =	vst v63  }
0x87: {  	s31 =	simm.s32 $0x4000  }
0x88: {  	[tilespmem:s31], [sflag:$0x1] =	stream.indirect_vreg.gather [hbm4b:s7+s3], $0x80, v2, vm0, $0xb8;
	[tilespmem:$0x12800] =	vst v63  }
0x89: {  	s2 =	simm.s32 $0x4800  }
0x8a: {  	[tilespmem:s2], [sflag:$0x1] =	stream.indirect_vreg.gather [hbm4b:s8+s3], $0x80, v2, vm0, $0xb8;
	[tilespmem:$0x12800] =	vst v63  }
0x8b: {  	s31 =	simm.s32 $0x5000  }
0x8c: {  	[tilespmem:s31], [sflag:$0x1] =	stream.indirect_vreg.gather [hbm4b:s9+s3], $0x80, v2, vm0, $0xb8;
	[tilespmem:$0x12800] =	vst v63  }
0x8d: {  	s2 =	simm.s32 $0x5800  }
0x8e: {  	[tilespmem:s2], [sflag:$0x1] =	stream.indirect_vreg.gather [hbm4b:s10+s3], $0x80, v2, vm0, $0xb8;
	[tilespmem:$0x12800] =	vst v63  }
0x8f: {  	s31 =	simm.s32 $0x6000  }
0x90: {  	[tilespmem:s31], [sflag:$0x1] =	stream.indirect_vreg.gather [hbm4b:s11+s3], $0x80, v2, vm0, $0xb8;
	[tilespmem:$0x12800] =	vst v63  }
0x91: {  	s2 =	simm.s32 $0x6800  }
0x92: {  	[tilespmem:s2], [sflag:$0x1] =	stream.indirect_vreg.gather [hbm4b:s12+s3], $0x80, v2, vm0, $0xb8;
	[tilespmem:$0x12800] =	vst v63  }
0x93: {  	s31 =	simm.s32 $0x7000  }
0x94: {  	[tilespmem:s31], [sflag:$0x1] =	stream.indirect_vreg.gather [hbm4b:s13+s3], $0x80, v2, vm0, $0xb8;
	[tilespmem:$0x12800] =	vst v63  }
0x95: {  	s2 =	simm.s32 $0x7800  }
0x96: {  	[tilespmem:s2], [sflag:$0x1] =	stream.indirect_vreg.gather [hbm4b:s14+s3], $0x80, v2, vm0, $0xb8;
	[tilespmem:$0x12800] =	vst v63  }
0x97: {  	s31 =	simm.s32 $0x8000  }
0x98: {  	[tilespmem:s31], [sflag:$0x1] =	stream.indirect_vreg.gather [hbm4b:s15+s3], $0x80, v2, vm0, $0xb8;
	[tilespmem:$0x12800] =	vst v63  }
0x99: {  	s2 =	simm.s32 $0x8800  }
0x9a: {  	[tilespmem:s2], [sflag:$0x1] =	stream.indirect_vreg.gather [hbm4b:s16+s3], $0x80, v2, vm0, $0xb8;
	[tilespmem:$0x12800] =	vst v63  }
0x9b: {  	s31 =	simm.s32 $0x9000  }
0x9c: {  	[tilespmem:s31], [sflag:$0x1] =	stream.indirect_vreg.gather [hbm4b:s17+s3], $0x80, v2, vm0, $0xb8;
	[tilespmem:$0x12800] =	vst v63  }
.Ltmp3:
0x9d: {  	_ = 	snop;
	(pc) =	sbr.rel .LBB2_2-.Ltmp3, $4  }
0x9e: {  	s2 =	simm.s32 $0x9800  }
0x9f: {  	[tilespmem:s2], [sflag:$0x1] =	stream.indirect_vreg.gather [hbm4b:s18+s3], $0x80, v2, vm0, $0xb8;
	[tilespmem:$0x12800] =	vst v63  }
0xa0: {  	s26 =	sadd.s32 $0x2000, s26;
	s25 =	sadd.s32 $0x80, s25;
	s31 =	simm.s32 $0xA000  }
0xa1: {  	[tilespmem:s31], [sflag:$0x1] =	stream.indirect_vreg.gather [hbm4b:s19+s3], $0x80, v2, vm0, $0xb8;
	[tilespmem:$0x12800] =	vst v63  }
.LBB2_5:
0xa2: {  	_ =	sfence.sel $0x180000  }
0xa3: {  	[bflag:$0x0] =	sbarrier.arrive $0xFFFF  }
0xa4: {  	_ =	strace $0x9000004D  }
0xa5: {  	s0 =	stileid.u32;
	[bflag:$0x2] =	sbarrier.arrive $0xFFFF  }
0xa6: {  	p0 =	sne.s32 s0, $0x0;
	s0 =	rddreg [dreg:$0x3]  }
0xa7: {  	s0 =	sadd.s32 @!p0 $0x100000, s0  }
0xa8: {  	[sflag:s0] =	ssyncadd.tile.s32 @!p0 $0x1;
	_ =	shalt  }
.Lfunc_end2:
_tile_overlayer_lowered:
.L_overlay_start_2:
0xa9: {  	(tag) =	ssettag $0x2  }
0xaa: {  	s0 =	rddreg [dreg:$0x0];
	s2 =	stileid.u32  }
0xab: {  	s1 =	rddreg [dreg:$0x1];
	p0 =	sne.s32 s2, $0x0  }
0xac: {  	s3 =	rddreg [dreg:$0x2];
	[bflag:$0x3] =	sbarrier.arrive $0xFFFF;
	s2 =	simm.s32 @!p0 $0x1C05  }
0xad: {  	[timem:s3], [sflag:s2] =	dma.local @!p0 [hbm:s0], s1  }
0xae: {  	s0 =	simm.s32 @!p0 $0x5  }
0xaf: {  	_ =	swait.ge @!p0 [sflag:s0], s1  }
0xb0: {  	s1 =	ssub.s32 @!p0 $0x0, s1;
	[sflag:s0] =	ssyncset.done @!p0 $0x0  }
0xb1: {  	[sflag:s0] =	ssyncadd.s32 @!p0 s1  }
0xb2: {  	[bflag:$0x3] =	sbarrier.arrive $0xFFFF  }
0xb3: {  	_ =	shalt  }

// kernel: kernel.9.cloned.1.call-start
scs
__scs_entry_jumppad:
0x0: {  	(pc) =	sbr.rel $0x88, $3  }
0x1: {  	(tag) =	ssettag $0x0;
	lr =	simm.s32 $0x1  }
0x2: {  	[smem:$0x3F9E] =	sst lr;
	_ =	strace $0xD0000000  }
0x3: {  	_ = 	snop  }
0x4: {  	_ = 	snop  }
0x5: {  	_ = 	snop  }
0x6: {  	_ = 	snop  }
0x7: {  	_ = 	snop  }
__scs_overlays_trampoline_lowered:
0x8: {  	[smem:$0x3FAD] =	sst s0  }
0x9: {  	[smem:$0x3FAE] =	sst s1  }
0xa: {  	[smem:$0x3FAF] =	sst s2  }
0xb: {  	[smem:$0x3FB0] =	sst s3  }
0xc: {  	[smem:$0x3FB1] =	sst s4  }
0xd: {  	[smem:$0x3FB2] =	sst s5  }
0xe: {  	[smem:$0x3FB3] =	sst s6  }
0xf: {  	[smem:$0x3FB4] =	sst s7  }
0x10: {  	[smem:$0x3FB5] =	sst s8  }
0x11: {  	[smem:$0x3FB6] =	sst s9;
	s0 =	simm.s32 @!p0 $0x0  }
0x12: {  	s1 =	sld [smem:$0x3F9C];
	s0 =	simm.s32 @p0 $0x1  }
0x13: {  	[smem:$0x3FB7] =	sst s0;
	s0 =	simm.s32 @!p1 $0x0  }
0x14: {  	s2 =	sld [smem:$0x3F9B];
	s0 =	simm.s32 @p1 $0x1  }
0x15: {  	[smem:$0x3FB8] =	sst s0;
	s0 =	simm.s32 @!p2 $0x0  }
0x16: {  	s3 =	sld [smem:$0x3FDB];
	s0 =	simm.s32 @p2 $0x1  }
0x17: {  	s4 =	simm.s32 $0x1BF5;
	[smem:$0x3FBA] =	sst s0  }
0x18: {  	s0 =	sld [smem:$0x3F9D];
	_ =	swait.ge [sflag:s4], $0x0  }
0x19: {  	s7 =	sld [smem:$0x3F9E]  }
0x1a: {  	s8 =	sadd.s32 $0xFFFFE003, lr  }
0x1b: {  	s9 =	sadd.s32 $0xFFFFFEF7, lr;
	s5 =	simm.s32 $0xFFFFFFFF;
	p2 =	slt.u32 s8, $0xFFFFF086  }
0x1c: {  	p1 =	slt.u32 s9, $0xF7A;
	s5 =	simm.s32 @!p2 $0x0  }
0x1d: {  	s5 =	simm.s32 @p1 $0x1;
	p0 =	seq.s32 s7, s2  }
0x1e: {  	s7 =	smul.u32 @!p0 $0xF7A, s2;
	p2 =	seq.s32 @!p0 s5, $0x0  }
0x1f: {  	s9 =	smul.u32 $0xF7A, s1;
	s8 =	simm.s32 @!p0 $0x1BF5;
	p2 =	por !p2, p0  }
0x20: {  	[sflag:s8] =	ssyncset.s32 @!p0 $0xFFFFF086;
	s6 =	sadd.s32 @!p0 s3, s7;
	s7 =	simm.s32 @!p0 $0x108  }
0x21: {  	s3 =	sadd.s32 s3, s9;
	s6 =	sadd.s32 @!p0 $0x88, s6;
	s7 =	simm.s32 @p2 $0x1082  }
0x22: {  	[simem:s7], [sflag:s8] =	dma.local @!p0 [hbm:s6], $0xF7A  }
0x23: {  	s9 =	sor.u32 $0xD0000000, s2;
	s6 =	simm.s32 $0x108;
	_ =	swait.ge @!p0 [sflag:s8], $0x0  }
0x24: {  	s3 =	sadd.s32 $0x88, s3;
	s6 =	simm.s32 @!p1 $0x1082;
	[sflag:s4] =	ssyncset.s32 $0xFFFFF086  }
0x25: {  	[simem:s6], [sflag:s4] =	dma.local [hbm:s3], $0xF7A  }
0x26: {  	[smem:$0x3F9E] =	sst s1;
	(tag) =	ssettag s2;
	_ =	strace s9  }
0x27: {  	s1 =	sld [smem:$0x3FAE]  }
0x28: {  	s2 =	sld [smem:$0x3FAF]  }
0x29: {  	s4 =	sld [smem:$0x3FB1]  }
0x2a: {  	p0 =	seq.s32 s5, $0x0;
	s5 =	sld [smem:$0x3FB2]  }
0x2b: {  	s6 =	sld [smem:$0x3FB3]  }
0x2c: {  	s7 =	sld [smem:$0x3FB4]  }
0x2d: {  	s3 =	simm.s32 $0x108;
	s8 =	sld [smem:$0x3FB5]  }
0x2e: {  	s3 =	simm.s32 @!p0 $0x1082;
	s9 =	sld [smem:$0x3FB6]  }
0x2f: {  	lr =	sadd.s32 s0, s3;
	s0 =	sld [smem:$0x3FAD]  }
0x30: {  	s3 =	sld [smem:$0x3FB0]  }
0x31: {  	[smem:$0x3FB9] =	sst s10  }
0x32: {  	s10 =	sld [smem:$0x3FB7];
	_ =	sdelay $0x3  }
0x33: {  	p0 =	seq.s32 s10, $0x1;
	s10 =	sld [smem:$0x3FB9];
	_ =	sdelay $0x3  }
0x34: {  	[smem:$0x3FB9] =	sst s10  }
0x35: {  	s10 =	sld [smem:$0x3FB8];
	_ =	sdelay $0x3  }
0x36: {  	p1 =	seq.s32 s10, $0x1;
	s10 =	sld [smem:$0x3FB9];
	_ =	sdelay $0x3  }
0x37: {  	[smem:$0x3FB9] =	sst s10  }
0x38: {  	s10 =	sld [smem:$0x3FBA]  }
0x39: {  	_ = 	snop;
	(pc) =	sbr.ind lr, $3  }
0x3a: {  	_ = 	snop  }
0x3b: {  	_ = 	snop  }
0x3c: {  	p2 =	seq.s32 s10, $0x1;
	s10 =	sld [smem:$0x3FB9]  }
0x3d: {  	_ =	shalt  }
0x3e: {  	_ =	shalt  }
0x3f: {  	_ =	shalt  }
0x40: {  	_ =	shalt  }
0x41: {  	_ =	shalt  }
0x42: {  	_ =	shalt  }
0x43: {  	_ =	shalt  }
0x44: {  	_ =	shalt  }
0x45: {  	_ =	shalt  }
0x46: {  	_ =	shalt  }
0x47: {  	_ =	shalt  }
0x48: {  	_ =	shalt  }
0x49: {  	_ =	shalt  }
0x4a: {  	_ =	shalt  }
0x4b: {  	_ =	shalt  }
0x4c: {  	_ =	shalt  }
0x4d: {  	_ =	shalt  }
0x4e: {  	_ =	shalt  }
0x4f: {  	_ =	shalt  }
0x50: {  	_ =	shalt  }
0x51: {  	_ =	shalt  }
0x52: {  	_ =	shalt  }
0x53: {  	_ =	shalt  }
0x54: {  	_ =	shalt  }
0x55: {  	_ =	shalt  }
0x56: {  	_ =	shalt  }
0x57: {  	_ =	shalt  }
0x58: {  	_ =	shalt  }
0x59: {  	_ =	shalt  }
0x5a: {  	_ =	shalt  }
0x5b: {  	_ =	shalt  }
0x5c: {  	_ =	shalt  }
0x5d: {  	_ =	shalt  }
0x5e: {  	_ =	shalt  }
0x5f: {  	_ =	shalt  }
0x60: {  	_ =	shalt  }
0x61: {  	_ =	shalt  }
0x62: {  	_ =	shalt  }
0x63: {  	_ =	shalt  }
0x64: {  	_ =	shalt  }
0x65: {  	_ =	shalt  }
0x66: {  	_ =	shalt  }
0x67: {  	_ =	shalt  }
0x68: {  	_ =	shalt  }
0x69: {  	_ =	shalt  }
0x6a: {  	_ =	shalt  }
0x6b: {  	_ =	shalt  }
0x6c: {  	_ =	shalt  }
0x6d: {  	_ =	shalt  }
0x6e: {  	_ =	shalt  }
0x6f: {  	_ =	shalt  }
0x70: {  	_ =	shalt  }
0x71: {  	_ =	shalt  }
0x72: {  	_ =	shalt  }
0x73: {  	_ =	shalt  }
0x74: {  	_ =	shalt  }
0x75: {  	_ =	shalt  }
0x76: {  	_ =	shalt  }
0x77: {  	_ =	shalt  }
0x78: {  	_ =	shalt  }
0x79: {  	_ =	shalt  }
0x7a: {  	_ =	shalt  }
0x7b: {  	_ =	shalt  }
0x7c: {  	_ =	shalt  }
0x7d: {  	_ =	shalt  }
0x7e: {  	_ =	shalt  }
0x7f: {  	_ =	shalt  }
0x80: {  	_ =	shalt  }
0x81: {  	_ =	shalt  }
0x82: {  	_ =	shalt  }
0x83: {  	_ =	shalt  }
0x84: {  	_ =	shalt  }
0x85: {  	_ =	shalt  }
0x86: {  	_ =	shalt  }
0x87: {  	_ =	shalt  }
.Lfunc_end0:
.L_simem_size_0:
called_computation.2_lowered:
.L_overlay_start_0:
0x88: {  	s2 =	sld [smem:$0x3FD9]  }
0x89: {  	s3 =	sld [smem:$0x3FFE];
	_ =	sdelay $0x1  }
0x8a: {  	s1 =	srdreg.scid  }
0x8b: {  	s0 =	sand.u32 $0x1, s1  }
0x8c: {  	s16 =	sshll.u32 s0, $0xA;
	s2 =	sadd.s32 s3, s2  }
0x8d: {  	s2 =	sadd.s32 s2, s16  }
0x8e: {  	[smem:$0x3FC5] =	sst s2  }
0x8f: {  	_ = 	snop  }
0x90: {  	(tm) =	ssettm $0x1  }
0x91: {  	s17 =	sld [smem:$0x3FFB];
	_ =	sdelay $0x3  }
0x92: {  	_ =	strace s17  }
0x93: {  	s2 =	sld [smem:$0x3FFC];
	_ =	sdelay $0x3  }
0x94: {  	_ =	strace s2  }
0x95: {  	s2 =	sld [smem:$0x3FFD];
	_ =	sdelay $0x3  }
0x96: {  	_ =	strace s2  }
0x97: {  	_ =	strace $0x8FFFFFFF  }
0x98: {  	s18 =	sld [smem:$0x3FDB];
	_ =	sdelay $0x1  }
0x99: {  	s19 =	simm.s32 $_scs_section_size  }
0x9a: {  	s4 =	simm.s32 $_size__tile_overlayer_lowered;
	s5 =	simm.s32 $_tile_overlayer_lowered  }
0x9b: {  	s22 =	simm.s32 $0x1BFF;
	s21 =	sshll.u32 s5, $0x1;
	s2 =	sadd.s32 s19, s18  }
0x9c: {  	s6 =	simm.s32 $0x0;
	s20 =	sshll.u32 s4, $0x1;
	s4 =	sadd.s32 s21, s2  }
0x9d: {  	[timem:s6], [sflag:s22] =	dma.local [hbm:s4], s20  }
0x9e: {  	_ =	swait.ge [sflag:s22], s20  }
0x9f: {  	s3 =	ssub.s32 $0x0, s20;
	[sflag:s22] =	ssyncset.done $0x0  }
0xa0: {  	[sflag:s22] =	ssyncadd.s32 s3;
	_ =	sdelay $0x1  }
0xa1: {  	s23 =	simm.s32 $0x1B8B  }
0xa2: {  	_ =	swait.ge [sflag:s23], $0x1  }
0xa3: {  	[sflag:s23] =	ssyncset.done $0x0  }
0xa4: {  	s25 =	simm.s32 $0x1B8E;
	s24 =	sld [smem:$0x3FFE];
	[sflag:s23] =	ssyncadd.s32 $0xFFFFFFFF  }
0xa5: {  	s26 =	simm.s32 $execute0_lowered;
	[smem:$0x3FD2] =	sst s25  }
0xa6: {  	s4 =	sshll.u32 s26, $0x1;
	_ =	strace $0x80000049;
	[dreg:$0x1] =	wrdreg $0xFFFFFFFF  }
0xa7: {  	s28 =	simm.s32 $_size_execute0_lowered;
	s2 =	sadd.s32 s2, s4;
	[dreg:$0x0] =	wrdreg $0x0  }
0xa8: {  	s4 =	sshll.u32 s28, $0x1;
	[dreg:$0x2] =	wrdreg s2  }
0xa9: {  	[dreg:$0x3] =	wrdreg s4  }
0xaa: {  	[dreg:$0x4] =	wrdreg $0xC0  }
0xab: {  	_ =	task [dreg:s6], $0x5FFFF  }
0xac: {  	[dreg:$0x1] =	wrdreg $0xFFFFFFFF  }
0xad: {  	[dreg:$0x0] =	wrdreg $0x60  }
0xae: {  	[dreg:$0x2] =	wrdreg s24  }
0xaf: {  	[dreg:$0x3] =	wrdreg $0xA  }
0xb0: {  	_ =	task.clear_ibuf [dreg:s6], $0x4FFFF;
	_ =	strace $0x90000049  }
0xb1: {  	s29 =	simm.s32 $0xA;
	_ =	strace $0x8000004B  }
0xb2: {  	_ =	swait.ge [sflag:s29], $0x1  }
0xb3: {  	[sflag:s29] =	ssyncadd.s32 $0xFFFFFFFF  }
0xb4: {  	_ =	strace $0x9000004B  }
0xb5: {  	_ =	sfence  }
0xb6: {  	s30 =	sld [smem:$0x0];
	_ =	sdelay $0x2  }
0xb7: {  	s31 =	sshll.u32 s1, $0xD;
	s1 =	sshrl.u32 s1, $0x2  }
0xb8: {  	s3 =	sand.u32 $0x4000, s31;
	s1 =	sadd.s32 s1, s30  }
0xb9: {  	s0 =	sor.u32 s3, s0;
	s1 =	sshll.u32 s1, $0x11  }
0xba: {  	s0 =	sor.u32 s1, s0  }
0xbb: {  	s0 =	sadd.s32 $0x8F2B, s0  }
0xbc: {  	[sflag:s0] =	ssyncadd.remote.s32 $0x1  }
0xbd: {  	_ =	sfence.sel $0xFFFF  }
0xbe: {  	[dreg:$0x0] =	wrdreg $0xFFFFFFFF;
	(pc) =	sbr.abs _section_cstart, $3  }
0xbf: {  	[dreg:$0x1] =	wrdreg $0xFFFFFFFF  }
0xc0: {  	_ =	task.clear_ibuf [dreg:s6], $0x2FFFF;
	_ =	strace $0x9FFFFFFF  }
0xc1: {  	(tm) =	ssettm $0x7FFFFFFF  }
tec
execute0_lowered:
.L_overlay_start_1:
0x0: {  	(tag) =	ssettag $0x1  }
0x1: {  	s0 =	rddreg [dreg:$0x0];
	s1 =	srdreg.scid  }
0x2: {  	s2 =	stileid.u32;
	s10 =	simm.s32 $0x80;
	s11 =	simm.s32 $0x400  }
0x3: {  	s12 =	simm.s32 $0x2;
	s16 =	simm.s32 $0x600;
	s17 =	simm.s32 $0x180  }
0x4: {  	s18 =	simm.s32 $0x680;
	s19 =	simm.s32 $0x200;
	s20 =	simm.s32 $0x700  }
0x5: {  	s21 =	simm.s32 $0x280;
	s22 =	simm.s32 $0x780;
	s23 =	simm.s32 $0x300  }
0x6: {  	s24 =	simm.s32 $0x800;
	s28 =	simm.s32 $0x900;
	s29 =	simm.s32 $0x480  }
0x7: {  	s30 =	simm.s32 $0x980;
	s31 =	simm.s32 $0x1;
	s1 =	sand.u32 $0x1, s1  }
0x8: {  	s3 =	sshrl.u32 s2, $0x2;
	s2 =	sshll.u32 s2, $0x8;
	s4 =	sshll.u32 s1, $0x7  }
0x9: {  	s5 =	sand.u32 $0x300, s2;
	s6 =	smul.u32 $0x1400, s3;
	s2 =	simm.s32 $0x0  }
0xa: {  	s3 =	sshll.u32 s3, $0xA;
	s1 =	ssub.s32 $0x2, s1;
	s4 =	sor.u32 s4, s5  }
0xb: {  	[smem:$0x7FF] =	sst s2;
	s7 =	sshrl.u32 s1, $0x1;
	s5 =	sor.u32 s6, s4  }
0xc: {  	_ =	strace $0x8000004A;
	s4 =	sor.u32 s3, s4;
	s3 =	sadd.s32 $0x801800, s0  }
0xd: {  	s1 =	ssub.s32 s1, s7;
	s5 =	sshrl.u32 s5, $0x3;
	s26 =	sshrl.u32 s4, $0x3  }
0xe: {  	s4 =	sadd.s32 $0x1800, s0;
	s9 =	smax.u32 s1, $0x1;
	s25 =	sadd.s32 s5, s0  }
0xf: {  	s1 =	simm.s32 $0xA00;
	s0 =	sadd.s32 s26, s0;
	s5 =	sadd.s32 $0x801C00, s25  }
0x10: {  	s26 =	simm.s32 $0x880;
	s6 =	sadd.s32 $0x802600, s25;
	s7 =	sadd.s32 $0x803000, s0  }
0x11: {  	s8 =	sadd.s32 $0x803200, s0;
	s25 =	simm.s32 $0x380;
	s0 =	simm.s32 $0x0  }
.LBB2_1:
0x12: {  	[tilespmem:s2], [sflag:$0x2] =	stream.strided.gather [hbm4b:s5+s10], $0x280, s11, s10, $0x38;
	[tilespmem:$0xA80] =	vst v63  }
0x13: {  	_ =	swait.ge [sflag:s12], $0x280  }
0x14: {  	[sflag:s12] =	ssyncset.done $0x0  }
0x15: {  	s13 =	simm.s32 $0x500;
	[sflag:s12] =	ssyncadd.s32 $0xFFFFFD80  }
0x16: {  	[tilespmem:s13], [sflag:$0x1] =	stream.indirect.gather [hbm4b:s3+s10], $0x1, s2, s10, $0xb8;
	[tilespmem:$0xA80] =	vst v63  }
0x17: {  	s14 =	simm.s32 $0x580  }
0x18: {  	[tilespmem:s14], [sflag:$0x1] =	stream.indirect.gather [hbm4b:s3+s10], $0x1, s10, s10, $0xb8;
	[tilespmem:$0xA80] =	vst v63  }
0x19: {  	s15 =	simm.s32 $0x100  }
0x1a: {  	[tilespmem:s16], [sflag:$0x1] =	stream.indirect.gather [hbm4b:s3+s10], $0x1, s15, s10, $0xb8;
	[tilespmem:$0xA80] =	vst v63  }
0x1b: {  	_ = 	snop  }
0x1c: {  	[tilespmem:s18], [sflag:$0x1] =	stream.indirect.gather [hbm4b:s3+s10], $0x1, s17, s10, $0xb8;
	[tilespmem:$0xA80] =	vst v63  }
0x1d: {  	_ = 	snop  }
0x1e: {  	[tilespmem:s20], [sflag:$0x1] =	stream.indirect.gather [hbm4b:s3+s10], $0x1, s19, s10, $0xb8;
	[tilespmem:$0xA80] =	vst v63  }
0x1f: {  	_ = 	snop  }
0x20: {  	[tilespmem:s21], [sflag:$0x2] =	stream.strided.gather [hbm4b:s6+s10], $0x280, s11, s10, $0x38;
	[tilespmem:$0xA80] =	vst v63  }
0x21: {  	_ =	swait.ge [sflag:s12], $0x280  }
0x22: {  	[sflag:s12] =	ssyncset.done $0x0  }
0x23: {  	s13 =	simm.s32 $0x0;
	[sflag:s12] =	ssyncadd.s32 $0xFFFFFD80  }
0x24: {  	v0 =	vld [tilespmem:s13+$0x0]  }
0x25: {  	v1 =	vld [tilespmem:s13+$0x280];
	_ =	sdelay $0x3  }
0x26: {  	v0 =	vshll.u32 v0, $0xD  }
0x27: {  	s14 =	simm.s32 $0x80;
	s15 =	simm.s32 $0x10;
	v0 =	vadd.s32 v1, v0  }
.LBB2_2:
0x28: {  	p0 =	sne.s32 s14, $0x9C0;
	v1 =	vld [tilespmem:s15+$0x0];
	[tilespmem:s13+$0x280] =	vst v0;
	s13 =	smov.u32 s15  }
0x29: {  	v0 =	vld [tilespmem:s13+$0x280]  }
.Ltmp0:
0x2a: {  	(pc) =	sbr.rel @p0 .LBB2_2-.Ltmp0, $3  }
0x2b: {  	_ =	sdelay $0x1  }
0x2c: {  	v1 =	vshll.u32 v1, $0xD  }
0x2d: {  	s15 =	sshra.s32 s14, $0x2;
	s14 =	sadd.s32 $0x40, s14;
	v0 =	vadd.s32 v0, v1  }
0x2e: {  	v1 =	vld [tilespmem:s15+$0x0];
	[tilespmem:s13+$0x280] =	vst v0  }
0x2f: {  	v0 =	vld [tilespmem:s15+$0x280];
	_ =	sdelay $0x3  }
0x30: {  	v1 =	vshll.u32 v1, $0xD  }
0x31: {  	v0 =	vadd.s32 v0, v1  }
0x32: {  	[tilespmem:s15+$0x280] =	vst v0  }
0x33: {  	[tilespmem:s22], [sflag:$0x1] =	stream.indirect.gather [hbm4b:s4+s10], $0x1, s21, s10, $0xb8;
	[tilespmem:$0xA80] =	vst v63  }
0x34: {  	_ = 	snop  }
0x35: {  	[tilespmem:s24], [sflag:$0x1] =	stream.indirect.gather [hbm4b:s4+s10], $0x1, s23, s10, $0xb8;
	[tilespmem:$0xA80] =	vst v63  }
0x36: {  	_ = 	snop  }
0x37: {  	[tilespmem:s26], [sflag:$0x1] =	stream.indirect.gather [hbm4b:s4+s10], $0x1, s25, s10, $0xb8;
	[tilespmem:$0xA80] =	vst v63  }
0x38: {  	_ = 	snop  }
0x39: {  	[tilespmem:s28], [sflag:$0x1] =	stream.indirect.gather [hbm4b:s4+s10], $0x1, s11, s10, $0xb8;
	[tilespmem:$0xA80] =	vst v63  }
0x3a: {  	_ = 	snop  }
0x3b: {  	[tilespmem:s30], [sflag:$0x1] =	stream.indirect.gather [hbm4b:s4+s10], $0x1, s29, s10, $0xb8;
	[tilespmem:$0xA80] =	vst v63  }
0x3c: {  	_ =	swait.ge [sflag:s31], $0x80  }
0x3d: {  	[sflag:s31] =	ssyncset.done $0x0  }
0x3e: {  	[sflag:s31] =	ssyncadd.s32 $0xFFFFFF80  }
0x3f: {  	_ =	swait.ge [sflag:s31], $0x80  }
0x40: {  	[sflag:s31] =	ssyncset.done $0x0  }
0x41: {  	[sflag:s31] =	ssyncadd.s32 $0xFFFFFF80  }
0x42: {  	_ =	swait.ge [sflag:s31], $0x80  }
0x43: {  	[sflag:s31] =	ssyncset.done $0x0  }
0x44: {  	[sflag:s31] =	ssyncadd.s32 $0xFFFFFF80  }
0x45: {  	_ =	swait.ge [sflag:s31], $0x80  }
0x46: {  	[sflag:s31] =	ssyncset.done $0x0  }
0x47: {  	[sflag:s31] =	ssyncadd.s32 $0xFFFFFF80  }
0x48: {  	_ =	swait.ge [sflag:s31], $0x80  }
0x49: {  	[sflag:s31] =	ssyncset.done $0x0  }
0x4a: {  	[sflag:s31] =	ssyncadd.s32 $0xFFFFFF80  }
0x4b: {  	_ =	swait.ge [sflag:s31], $0x80  }
0x4c: {  	[sflag:s31] =	ssyncset.done $0x0  }
0x4d: {  	[sflag:s31] =	ssyncadd.s32 $0xFFFFFF80  }
0x4e: {  	_ =	swait.ge [sflag:s31], $0x80  }
0x4f: {  	[sflag:s31] =	ssyncset.done $0x0  }
0x50: {  	[sflag:s31] =	ssyncadd.s32 $0xFFFFFF80  }
0x51: {  	_ =	swait.ge [sflag:s31], $0x80  }
0x52: {  	[sflag:s31] =	ssyncset.done $0x0  }
0x53: {  	[sflag:s31] =	ssyncadd.s32 $0xFFFFFF80  }
0x54: {  	_ =	swait.ge [sflag:s31], $0x80  }
0x55: {  	[sflag:s31] =	ssyncset.done $0x0  }
0x56: {  	[sflag:s31] =	ssyncadd.s32 $0xFFFFFF80  }
0x57: {  	_ =	swait.ge [sflag:s31], $0x80  }
0x58: {  	[sflag:s31] =	ssyncset.done $0x0  }
0x59: {  	s14 =	simm.s32 $0x0;
	[sflag:s31] =	ssyncadd.s32 $0xFFFFFF80  }
0x5a: {  	v1 =	vld [tilespmem:s14+$0x780]  }
0x5b: {  	s13 =	simm.s32 $0x40;
	v2 =	vimm.f32 $0.0e+00;
	v0 =	vimm.f32 $0.0e+00;
	v3 =	vld [tilespmem:s14+$0x500]  }
.LBB2_4:
0x5c: {  	p0 =	sne.s32 s13, $0x9C0  }
.Ltmp1:
0x5d: {  	_ = 	snop;
	(pc) =	sbr.rel @p0 .LBB2_4-.Ltmp1, $4  }
0x5e: {  	_ = 	snop  }
0x5f: {  	s14 =	sshra.s32 s13, $0x2;
	s13 =	sadd.s32 $0x40, s13;
	v0 =	vadd.f32 v1, v0  }
0x60: {  	v1 =	vld [tilespmem:s14+$0x780];
	v2 =	vadd.f32 v3, v2  }
0x61: {  	v3 =	vld [tilespmem:s14+$0x500]  }
0x62: {  	_ =	sdelay $0x3  }
0x63: {  	v2 =	vadd.f32 v3, v2;
	_ =	sdelay $0x1  }
0x64: {  	[tilespmem:$0xA00] =	vst v2  }
0x65: {  	[hbm4b:s7+s2] =	stream.linear.scatter [tilespmem:s1], [sflag:$0x2], $0x80, $0x38;
	[tilespmem:$0xA80] =	vst v63  }
0x66: {  	_ =	swait.ge [sflag:s12], $0x80  }
0x67: {  	s0 =	sadd.s32 $0x1, s0;
	v0 =	vadd.f32 v1, v0;
	[sflag:s12] =	ssyncset.done $0x0  }
0x68: {  	p0 =	sne.s32 s0, s9;
	[sflag:s12] =	ssyncadd.s32 $0xFFFFFF80  }
.Ltmp2:
0x69: {  	[tilespmem:$0xA00] =	vst v0;
	(pc) =	sbr.rel @p0 .LBB2_1-.Ltmp2, $4  }
0x6a: {  	[hbm4b:s8+s2] =	stream.linear.scatter [tilespmem:s1], [sflag:$0x2], $0x80, $0x38;
	[tilespmem:$0xA80] =	vst v63  }
0x6b: {  	_ =	swait.ge [sflag:s12], $0x80  }
0x6c: {  	[sflag:s12] =	ssyncset.done $0x0  }
0x6d: {  	[sflag:s12] =	ssyncadd.s32 $0xFFFFFF80  }
0x6e: {  	_ =	sfence.sel $0x180000  }
0x6f: {  	[bflag:$0x0] =	sbarrier.arrive $0xFFFF  }
0x70: {  	_ =	strace $0x9000004A  }
0x71: {  	s0 =	stileid.u32;
	[bflag:$0x2] =	sbarrier.arrive $0xFFFF  }
0x72: {  	p0 =	sne.s32 s0, $0x0;
	s0 =	rddreg [dreg:$0x1]  }
0x73: {  	s0 =	sadd.s32 @!p0 $0x100000, s0  }
0x74: {  	[sflag:s0] =	ssyncadd.tile.s32 @!p0 $0x1;
	_ =	shalt  }
.Lfunc_end2:
_tile_overlayer_lowered:
.L_overlay_start_2:
0x75: {  	(tag) =	ssettag $0x2  }
0x76: {  	s0 =	rddreg [dreg:$0x0];
	s2 =	stileid.u32  }
0x77: {  	s1 =	rddreg [dreg:$0x1];
	p0 =	sne.s32 s2, $0x0  }
0x78: {  	s3 =	rddreg [dreg:$0x2];
	[bflag:$0x3] =	sbarrier.arrive $0xFFFF;
	s2 =	simm.s32 @!p0 $0x1C02  }
0x79: {  	[timem:s3], [sflag:s2] =	dma.local @!p0 [hbm:s0], s1  }
0x7a: {  	s0 =	simm.s32 @!p0 $0x2  }
0x7b: {  	_ =	swait.ge @!p0 [sflag:s0], s1  }
0x7c: {  	s1 =	ssub.s32 @!p0 $0x0, s1;
	[sflag:s0] =	ssyncset.done @!p0 $0x0  }
0x7d: {  	[sflag:s0] =	ssyncadd.s32 @!p0 s1  }
0x7e: {  	[bflag:$0x3] =	sbarrier.arrive $0xFFFF  }
0x7f: {  	_ =	shalt  }

// kernel: sparse-core-data-format-call.cloned.1.call-start
scs
called_computation_lowered:
.L_overlay_start_0:
0x0: {  	s2 =	sld [smem:$0x3FD9]  }
0x1: {  	s3 =	sld [smem:$0x3FFE];
	_ =	sdelay $0x1  }
0x2: {  	s1 =	srdreg.scid  }
0x3: {  	s0 =	sand.u32 $0x1, s1  }
0x4: {  	s18 =	sshll.u32 s0, $0xA;
	s2 =	sadd.s32 s3, s2  }
0x5: {  	s2 =	sadd.s32 s2, s18  }
0x6: {  	[smem:$0x3FC5] =	sst s2  }
0x7: {  	_ = 	snop  }
0x8: {  	s2 =	sld [smem:$0x3FC7];
	(tm) =	ssettm $0x1  }
0x9: {  	s19 =	sld [smem:$0x3FFB];
	_ =	sdelay $0x3  }
0xa: {  	_ =	strace s19  }
0xb: {  	s3 =	sld [smem:$0x3FFC];
	_ =	sdelay $0x3  }
0xc: {  	_ =	strace s3  }
0xd: {  	s3 =	sld [smem:$0x3FFD];
	_ =	sdelay $0x3  }
0xe: {  	_ =	strace s3  }
0xf: {  	_ =	strace $0x8FFFFFFF  }
0x10: {  	s20 =	sld [smem:$0x3FDB];
	_ =	sdelay $0x1  }
0x11: {  	s4 =	simm.s32 $_scs_section_size  }
0x12: {  	s5 =	simm.s32 $_size__tile_overlayer_lowered;
	s6 =	simm.s32 $_tile_overlayer_lowered  }
0x13: {  	s23 =	simm.s32 $0x1BFF;
	s22 =	sshll.u32 s6, $0x1;
	s3 =	sadd.s32 s4, s20  }
0x14: {  	s7 =	simm.s32 $0x0;
	s21 =	sshll.u32 s5, $0x1;
	s5 =	sadd.s32 s22, s3  }
0x15: {  	[timem:s7], [sflag:s23] =	dma.local [hbm:s5], s21  }
0x16: {  	_ =	swait.ge [sflag:s23], s21  }
0x17: {  	s4 =	ssub.s32 $0x0, s21;
	[sflag:s23] =	ssyncset.done $0x0  }
0x18: {  	[sflag:s23] =	ssyncadd.s32 s4;
	_ =	sdelay $0x1  }
0x19: {  	s24 =	simm.s32 $0x1B8B  }
0x1a: {  	_ =	swait.ge [sflag:s24], $0x1  }
0x1b: {  	[sflag:s24] =	ssyncset.done $0x0  }
0x1c: {  	s26 =	simm.s32 $0x1B8E;
	s25 =	sld [smem:$0x3FFE];
	[sflag:s24] =	ssyncadd.s32 $0xFFFFFFFF  }
0x1d: {  	s27 =	simm.s32 $execute0_lowered;
	[smem:$0x3FD2] =	sst s26  }
0x1e: {  	s5 =	sshll.u32 s27, $0x1;
	_ =	strace $0x80000046;
	[dreg:$0x1] =	wrdreg $0xFFFFFFFF  }
0x1f: {  	s28 =	simm.s32 $_size_execute0_lowered;
	s3 =	sadd.s32 s3, s5;
	[dreg:$0x0] =	wrdreg $0x0  }
0x20: {  	s5 =	sshll.u32 s28, $0x1;
	[dreg:$0x2] =	wrdreg s3  }
0x21: {  	[dreg:$0x3] =	wrdreg s5  }
0x22: {  	[dreg:$0x4] =	wrdreg $0xC0  }
0x23: {  	_ =	task [dreg:s7], $0x5FFFF  }
0x24: {  	[dreg:$0x1] =	wrdreg $0xFFFFFFFF  }
0x25: {  	[dreg:$0x0] =	wrdreg $0x60  }
0x26: {  	[dreg:$0x2] =	wrdreg s2  }
0x27: {  	[dreg:$0x3] =	wrdreg s25  }
0x28: {  	[dreg:$0x4] =	wrdreg $0x9  }
0x29: {  	_ =	task.clear_ibuf [dreg:s7], $0x5FFFF;
	_ =	strace $0x90000046  }
0x2a: {  	s29 =	simm.s32 $0x9;
	_ =	strace $0x80000048  }
0x2b: {  	_ =	swait.ge [sflag:s29], $0x1  }
0x2c: {  	[sflag:s29] =	ssyncadd.s32 $0xFFFFFFFF  }
0x2d: {  	_ =	strace $0x90000048  }
0x2e: {  	_ =	sfence  }
0x2f: {  	s30 =	sld [smem:$0x0];
	_ =	sdelay $0x2  }
0x30: {  	s31 =	sshll.u32 s1, $0xD;
	s1 =	sshrl.u32 s1, $0x2  }
0x31: {  	s3 =	sand.u32 $0x4000, s31;
	s1 =	sadd.s32 s1, s30  }
0x32: {  	s0 =	sor.u32 s3, s0;
	s1 =	sshll.u32 s1, $0x11  }
0x33: {  	s0 =	sor.u32 s1, s0  }
0x34: {  	s0 =	sadd.s32 $0x8F2B, s0  }
0x35: {  	[sflag:s0] =	ssyncadd.remote.s32 $0x1  }
0x36: {  	_ =	sfence.sel $0xFFFF  }
0x37: {  	[dreg:$0x0] =	wrdreg $0xFFFFFFFF;
	(pc) =	sbr.abs _section_cstart, $3  }
0x38: {  	[dreg:$0x1] =	wrdreg $0xFFFFFFFF  }
0x39: {  	_ =	task.clear_ibuf [dreg:s7], $0x2FFFF;
	_ =	strace $0x9FFFFFFF  }
0x3a: {  	(tm) =	ssettm $0x7FFFFFFF  }
0x3b: {  	_ =	shalt  }
tec
execute0_lowered:
.L_overlay_start_1:
0x0: {  	(tag) =	ssettag $0x1  }
0x1: {  	s2 =	rddreg [dreg:$0x0]  }
0x2: {  	s1 =	rddreg [dreg:$0x1]  }
0x3: {  	s0 =	rddreg [dreg:$0x2];
	_ =	strace $0x80000047;
	s4 =	srdreg.scid  }
0x4: {  	s6 =	simm.s32 $0x2;
	s11 =	simm.s32 $0x0;
	p0 =	por $0x0, $0x0  }
.Ltmp0:
0x5: {  	s7 =	simm.s32 $0x2000;
	s12 =	simm.s32 $0x0;
	(pc) =	sbr.rel .LBB1_1-.Ltmp0, $4  }
0x6: {  	s9 =	simm.s32 $0x0;
	s3 =	sadd.s32 $0x1800, s1;
	s5 =	sshll.u32 s4, $0x4  }
0x7: {  	s1 =	stileid.u32;
	s4 =	simm.s32 $0x1;
	s5 =	sand.u32 $0x10, s5  }
0x8: {  	s8 =	simm.s32 $0x0;
	[sflag:s4] =	ssyncpa.u1 $0x0;
	s5 =	sor.u32 s1, s5  }
0x9: {  	[sflag:s6] =	ssyncpa.u1 $0x0;
	s6 =	simm.s32 $0x800;
	s10 =	smov.u32 s5  }
.LBB1_7:
0xa: {  	s13 =	sadd.s32 $0x10, s9  }
0xb: {  	s11 =	sadd.s32 $0x20, s10;
	s15 =	smov.u32 s10;
	p2 =	sgt.s32 s13, $0x3F  }
0xc: {  	p1 =	slt.u32 s8, $0x2;
	s15 =	smov.u32 @p2 s11  }
0xd: {  	s8 =	sadd.s32 $0x1, s8;
	s13 =	simm.s32 @p2 $0x0;
	p2 =	sgt.s32 s15, $0x3FF  }
0xe: {  	s15 =	smov.u32 @p2 s5;
	p2 =	sne.s32 s8, $0x82  }
.Ltmp1:
0xf: {  	_ = 	snop;
	(pc) =	sbr.rel @!p2 .LBB1_8-.Ltmp1, $4  }
0x10: {  	s14 =	simm.s32 @!p1 $0x2  }
0x11: {  	s12 =	smov.u32 s10;
	_ =	swait.ge @!p1 [sflag:s14], $0x4000  }
0x12: {  	p0 =	por !p0, !p0;
	s11 =	smov.u32 s9;
	[sflag:s14] =	ssyncset.done @!p1 $0x0  }
0x13: {  	s9 =	smov.u32 s13;
	[sflag:s14] =	ssyncadd.s32 @!p1 $0xFFFFC000;
	s10 =	smov.u32 s15  }
.LBB1_1:
0x14: {  	p1 =	sgt.u32 s8, $0x7F  }
0x15: {  	s13 =	sxor.u32 @!p1 $0xFFFFFFFF, s8;
	s14 =	sshll.u32 @!p1 s10, $0xD  }
0x16: {  	s15 =	sshll.u32 @!p1 s9, $0x7;
	s13 =	sshll.u32 @!p1 s13, $0xE;
	s14 =	sadd.s32 @!p1 s2, s14  }
0x17: {  	s13 =	sand.u32 @!p1 $0x4000, s13;
	s14 =	sadd.s32 @!p1 s15, s14;
	s15 =	simm.s32 @!p1 $0x0  }
0x18: {  	[tilespmem:s13], [sflag:$0x1] =	stream.linear.gather @!p1 [hbm4b:s14+s15], $0x4000, $0x38;
	[tilespmem:$0x10000] =	vst v63  }
0x19: {  	p1 =	seq.s32 s8, $0x0  }
0x1a: {  	p2 =	seq.s32 @!p1 s8, $0x81  }
0x1b: {  	p1 =	por p1, p2  }
.Ltmp2:
0x1c: {  	_ = 	snop;
	(pc) =	sbr.rel @p1 .LBB1_7-.Ltmp2, $1  }
0x1d: {  	_ =	sdelay $0x3  }
0x1e: {  	s13 =	simm.s32 $0x1;
	_ =	swait.ge [sflag:s4], $0x4000;
	s16 =	sshll.u32 s8, $0xE  }
0x1f: {  	s13 =	simm.s32 @!p0 $0x0;
	[sflag:s4] =	ssyncset.done $0x0;
	s31 =	sand.u32 $0x4000, s16  }
0x20: {  	s16 =	simm.s32 $0x0;
	s14 =	sshll.u32 s13, $0xE;
	[sflag:s4] =	ssyncadd.s32 $0xFFFFC000  }
0x21: {  	s13 =	sor.u32 $0x8040, s14;
	s15 =	sor.u32 $0x40, s14;
	s14 =	sor.u32 $0x8000, s31  }
.LBB1_3:
0x22: {  	v0 =	vmov s15;
	_ =	sdelay $0x3  }
0x23: {  	s18 =	simm.s32 $0x0  }
0x24: {  	v6 =	vld.idx.msk [tilespmem:v0+s18+$0x30 ss:$0x1], $0xffff  }
0x25: {  	v7 =	vld.idx.msk [tilespmem:v0+s18+$0xFFFFFFC0 ss:$0x1], $0xffff  }
0x26: {  	v5 =	vld.idx.msk [tilespmem:v0+s18+$0xFFFFFFD0 ss:$0x1], $0xffff  }
0x27: {  	v4 =	vld.idx.msk [tilespmem:v0+s18+$0xFFFFFFE0 ss:$0x1], $0xffff  }
0x28: {  	v3 =	vld.idx.msk [tilespmem:v0+s18+$0xFFFFFFF0 ss:$0x1], $0xffff  }
0x29: {  	v1 =	vld.idx.msk [tilespmem:v0+s18+$0x0 ss:$0x1], $0xffff  }
0x2a: {  	v2 =	vld.idx.msk [tilespmem:v0+s18+$0x10 ss:$0x1], $0xffff;
	[tilespmem:s13+$0x30] =	vst v6  }
0x2b: {  	s17 =	simm.s32 $0x80;
	s19 =	simm.s32 $0x400;
	[tilespmem:s13+$0xFFFFFFC0] =	vst v7;
	v6 =	vld.idx.msk [tilespmem:v0+s18+$0x20 ss:$0x1], $0xffff;
	s18 =	smov.u32 s13  }
.LBB1_4:
0x2c: {  	p1 =	sne.s32 s19, $0xE00;
	v7 =	vld.idx.msk [tilespmem:v0+s17+$0x30 ss:$0x1], $0xffff;
	[tilespmem:s18+$0xFFFFFFD0] =	vst v5  }
0x2d: {  	v8 =	vld.idx.msk [tilespmem:v0+s17+$0xFFFFFFC0 ss:$0x1], $0xffff;
	[tilespmem:s18+$0xFFFFFFE0] =	vst v4  }
0x2e: {  	v5 =	vld.idx.msk [tilespmem:v0+s17+$0xFFFFFFD0 ss:$0x1], $0xffff;
	[tilespmem:s18+$0xFFFFFFF0] =	vst v3  }
.Ltmp3:
0x2f: {  	v4 =	vld.idx.msk [tilespmem:v0+s17+$0xFFFFFFE0 ss:$0x1], $0xffff;
	[tilespmem:s18+$0x0] =	vst v1;
	(pc) =	sbr.rel @p1 .LBB1_4-.Ltmp3, $4  }
0x30: {  	v3 =	vld.idx.msk [tilespmem:v0+s17+$0xFFFFFFF0 ss:$0x1], $0xffff;
	[tilespmem:s18+$0x10] =	vst v2  }
0x31: {  	v1 =	vld.idx.msk [tilespmem:v0+s17+$0x0 ss:$0x1], $0xffff;
	[tilespmem:s18+$0x20] =	vst v6;
	s18 =	sadd.s32 $0x800, s18  }
0x32: {  	v2 =	vld.idx.msk [tilespmem:v0+s17+$0x10 ss:$0x1], $0xffff;
	[tilespmem:s18+$0x30] =	vst v7  }
0x33: {  	[tilespmem:s18+$0xFFFFFFC0] =	vst v8;
	v6 =	vld.idx.msk [tilespmem:v0+s17+$0x20 ss:$0x1], $0xffff;
	s17 =	sshra.s32 s19, $0x2;
	s19 =	sadd.s32 $0x200, s19  }
0x34: {  	_ =	sdelay $0x2  }
0x35: {  	[tilespmem:s18+$0xFFFFFFD0] =	vst v5  }
0x36: {  	v56 =	vld.idx.msk [tilespmem:v0+s17+$0x30 ss:$0x1], $0xffff;
	[tilespmem:s18+$0xFFFFFFE0] =	vst v4  }
0x37: {  	v57 =	vld.idx.msk [tilespmem:v0+s17+$0xFFFFFFC0 ss:$0x1], $0xffff;
	[tilespmem:s18+$0xFFFFFFF0] =	vst v3  }
0x38: {  	v58 =	vld.idx.msk [tilespmem:v0+s17+$0xFFFFFFD0 ss:$0x1], $0xffff;
	[tilespmem:s18+$0x0] =	vst v1  }
0x39: {  	v59 =	vld.idx.msk [tilespmem:v0+s17+$0xFFFFFFE0 ss:$0x1], $0xffff;
	[tilespmem:s18+$0x10] =	vst v2  }
0x3a: {  	v60 =	vld.idx.msk [tilespmem:v0+s17+$0xFFFFFFF0 ss:$0x1], $0xffff;
	s31 =	sadd.s32 $0x800, s18;
	[tilespmem:s18+$0x20] =	vst v6  }
0x3b: {  	v61 =	vld.idx.msk [tilespmem:v0+s17+$0x0 ss:$0x1], $0xffff;
	[tilespmem:s31+$0x30] =	vst v56  }
0x3c: {  	v62 =	vld.idx.msk [tilespmem:v0+s17+$0x10 ss:$0x1], $0xffff;
	s16 =	sadd.s32 $0x1, s16;
	[tilespmem:s31+$0xFFFFFFC0] =	vst v57  }
0x3d: {  	v63 =	vld.idx.msk [tilespmem:v0+s17+$0x20 ss:$0x1], $0xffff;
	p1 =	sne.s32 s16, $0x10;
	[tilespmem:s31+$0xFFFFFFD0] =	vst v58  }
.Ltmp4:
0x3e: {  	[tilespmem:s31+$0xFFFFFFE0] =	vst v59;
	(pc) =	sbr.rel @p1 .LBB1_3-.Ltmp4, $4  }
0x3f: {  	[tilespmem:s31+$0xFFFFFFF0] =	vst v60  }
0x40: {  	[tilespmem:s31+$0x0] =	vst v61  }
0x41: {  	[tilespmem:s31+$0x10] =	vst v62  }
0x42: {  	s13 =	sadd.s32 $0x80, s13;
	s15 =	sadd.s32 $0x400, s15;
	[tilespmem:s31+$0x20] =	vst v63  }
.Ltmp5:
0x43: {  	(pc) =	sbr.rel .LBB1_7-.Ltmp5, $4  }
0x44: {  	s12 =	sshll.u32 s12, $0xD;
	s11 =	sshll.u32 s11, $0x4  }
0x45: {  	s11 =	sand.u32 $0x3F0, s11;
	s12 =	sadd.s32 s3, s12  }
0x46: {  	s11 =	sadd.s32 s11, s12  }
0x47: {  	[hbm4b:s11+s6] =	stream.strided.scatter [tilespmem:s14], [sflag:$0x2], $0x4000, s7, s6, $0x38;
	[tilespmem:$0x10000] =	vst v63  }
.LBB1_8:
0x48: {  	_ =	sfence.sel $0x180000  }
0x49: {  	s2 =	simm.s32 $0x1;
	[bflag:$0x0] =	sbarrier.arrive $0xFFFF  }
0x4a: {  	s31 =	simm.s32 $0x2;
	[sflag:s2] =	ssyncpa.u1 $0x1  }
0x4b: {  	[sflag:s31] =	ssyncpa.u1 $0x1  }
0x4c: {  	p0 =	sne.s32 s1, $0x0;
	_ =	strace $0x90000047  }
0x4d: {  	s0 =	sadd.s32 @!p0 $0x100000, s0;
	[bflag:$0x2] =	sbarrier.arrive $0xFFFF  }
0x4e: {  	[sflag:s0] =	ssyncadd.tile.s32 @!p0 $0x1;
	_ =	shalt  }
.Lfunc_end1:
_tile_overlayer_lowered:
.L_overlay_start_2:
0x4f: {  	(tag) =	ssettag $0x2  }
0x50: {  	s0 =	rddreg [dreg:$0x0];
	s2 =	stileid.u32  }
0x51: {  	s1 =	rddreg [dreg:$0x1];
	p0 =	sne.s32 s2, $0x0  }
0x52: {  	s3 =	rddreg [dreg:$0x2];
	[bflag:$0x3] =	sbarrier.arrive $0xFFFF;
	s2 =	simm.s32 @!p0 $0x1C01  }
0x53: {  	[timem:s3], [sflag:s2] =	dma.local @!p0 [hbm:s0], s1  }
0x54: {  	s0 =	simm.s32 @!p0 $0x1  }
0x55: {  	_ =	swait.ge @!p0 [sflag:s0], s1  }
0x56: {  	s1 =	ssub.s32 @!p0 $0x0, s1;
	[sflag:s0] =	ssyncset.done @!p0 $0x0  }
0x57: {  	[sflag:s0] =	ssyncadd.s32 @!p0 s1  }
0x58: {  	[bflag:$0x3] =	sbarrier.arrive $0xFFFF  }
0x59: {  	_ =	shalt  }

</sc_bundles>
